<compile_context>
chip_gen: v7x
topology: tpu7x:2x2x1
jax: 0.10.2.dev20260603
libtpu: 0.0.44.dev20260713+nightly
codegen_flags: <defaults>
</compile_context>

<pallas_src>
import functools

import jax
import jax.numpy as jnp
from jax import lax
from jax.experimental import pallas as pl
from jax.experimental.pallas import tpu as pltpu
from jax.experimental.pallas import tpu_sc as plsc

EMB = 128
BATCH = 16384

NUM_CORES = 2
NUM_SUBCORES = 16
NW = NUM_CORES * NUM_SUBCORES
CHUNK = 128
TOT_CHUNKS = BATCH // CHUNK

CHUNK_ROWS = (8192, 8192)

TB = 4096


def _gather_body(chunk0, cpw, table_hbm, idx_hbm, out_hbm, idx_v, rows_v,
                 gsem, ssem):
    wid = lax.axis_index("s") * NUM_CORES + lax.axis_index("c")
    row0 = chunk0 + wid * cpw
    pltpu.sync_copy(idx_hbm.at[pl.ds(row0, cpw)], idx_v)
    gets = [
        pltpu.async_copy(table_hbm.at[idx_v.at[j, 0]], rows_v.at[j], gsem)
        for j in range(cpw)
    ]
    puts = []
    for j in range(cpw):
        gets[j].wait()
        puts.append(
            pltpu.async_copy(
                rows_v.at[j],
                out_hbm.at[pl.ds((wid * cpw + j) * CHUNK, CHUNK)], ssem
            )
        )
    for p in puts:
        p.wait()


def _sc_gather(biz_table, idx2, chunk0_rows, nrows):
    cpw = nrows // CHUNK // NW
    mesh = plsc.VectorSubcoreMesh(
        core_axis_name="c", subcore_axis_name="s",
        num_cores=NUM_CORES, num_subcores=NUM_SUBCORES,
    )
    fn = pl.kernel(
        functools.partial(_gather_body, chunk0_rows // CHUNK, cpw),
        out_type=jax.ShapeDtypeStruct((nrows, EMB), jnp.float32),
        mesh=mesh,
        scratch_types=[
            pltpu.VMEM((cpw, 1, CHUNK), jnp.int32),
            pltpu.VMEM((cpw, CHUNK, EMB), jnp.float32),
            pltpu.SemaphoreType.DMA,
            pltpu.SemaphoreType.DMA,
        ],
    )
    return fn(biz_table, idx2)


def _mlp_body(users_ref, ue_ref, be_ref, W1_ref, b1_ref, W2_ref, b2_ref,
              W3_ref, b3_ref, W4_ref, b4_ref, out_ref):
    ue = ue_ref[0]
    u1 = jnp.dot(ue, W1_ref[:EMB, :], preferred_element_type=jnp.float32)
    x = be_ref[...]
    h = jnp.dot(x, W1_ref[EMB:, :], preferred_element_type=jnp.float32)
    h = jnp.maximum(h + (u1 + b1_ref[...]), 0.0)
    h = jnp.dot(h, W2_ref[...], preferred_element_type=jnp.float32)
    h = jnp.maximum(h + b2_ref[...], 0.0)
    h = jnp.dot(h, W3_ref[...], preferred_element_type=jnp.float32)
    h = jnp.maximum(h + b3_ref[...], 0.0)
    o = lax.dot_general(W4_ref[...], h, (((1,), (1,)), ((), ())),
                        preferred_element_type=jnp.float32)
    out_ref[...] = o + b4_ref[...]


def _tc_mlp(users, be, user_table, W1, b1, W2, b2, W3, b3, W4t, b4):
    ut3 = user_table.reshape(user_table.shape[0], 1, EMB)
    nb = be.shape[0]
    grid = (nb // TB,)
    fn = pl.pallas_call(
        _mlp_body,
        grid_spec=pltpu.PrefetchScalarGridSpec(
            num_scalar_prefetch=1,
            grid=grid,
            in_specs=[
                pl.BlockSpec((1, 1, EMB), lambda i, u: (u[0], 0, 0)),
                pl.BlockSpec((TB, EMB), lambda i, u: (i, 0)),
                pl.BlockSpec((2 * EMB, 1024), lambda i, u: (0, 0)),
                pl.BlockSpec((1, 1024), lambda i, u: (0, 0)),
                pl.BlockSpec((1024, 512), lambda i, u: (0, 0)),
                pl.BlockSpec((1, 512), lambda i, u: (0, 0)),
                pl.BlockSpec((512, 256), lambda i, u: (0, 0)),
                pl.BlockSpec((1, 256), lambda i, u: (0, 0)),
                pl.BlockSpec((1, 256), lambda i, u: (0, 0)),
                pl.BlockSpec((1, 1), lambda i, u: (0, 0)),
            ],
            out_specs=pl.BlockSpec((1, TB), lambda i, u: (0, i)),
        ),
        out_shape=jax.ShapeDtypeStruct((1, nb), jnp.float32),
    )
    return fn(users, ut3, be, W1, b1.reshape(1, -1), W2, b2.reshape(1, -1),
              W3, b3.reshape(1, -1), W4t, b4.reshape(1, -1))


def kernel(users, businesses, user_table, biz_table, W1, b1, W2, b2, W3, b3,
           W4, b4):
    idx2 = businesses.reshape(TOT_CHUNKS, 1, CHUNK)
    W4t = W4.reshape(1, -1)
    bes, base = [], 0
    for nrows in CHUNK_ROWS:
        bes.append(_sc_gather(biz_table, idx2, base, nrows))
        base += nrows
    outs = [
        _tc_mlp(users, be, user_table, W1, b1, W2, b2, W3, b3, W4t, b4)
        for be in bes
    ]
    return jnp.concatenate(outs, axis=0).reshape(BATCH)

# --- scband reference (transcript-rebuilt; emitter-appended) ---
"""Pipeline reference for scband-user-based-collab-model-11458972746281 (READ-ONLY COPY).

The authoritative reference and input builder live on the scoring server;
editing this copy changes nothing except your own understanding.
"""

import jax, jax.numpy as jnp
import numpy as np

NUM_USERS = 1000000
NUM_BUSINESSES = 100000
EMB = 128
BATCH = 16384


def setup_inputs(seed: int = 0) -> dict:
    key = jax.random.key(seed)
    ks = jax.random.split(key, 12)
    users = jax.random.randint(ks[0], (1,), 0, NUM_USERS, dtype=jnp.int64 if jax.config.jax_enable_x64 else jnp.int32).astype(jnp.int32)
    businesses = jax.random.randint(ks[1], (BATCH,), 0, NUM_BUSINESSES).astype(jnp.int32)
    user_table = jax.random.normal(ks[2], (NUM_USERS, EMB), jnp.float32) * 0.02
    biz_table = jax.random.normal(ks[3], (NUM_BUSINESSES, EMB), jnp.float32) * 0.02
    W1 = jax.random.normal(ks[4], (EMB * 2, 1024), jnp.float32) * (1.0 / np.sqrt(EMB * 2))
    b1 = jnp.zeros((1024,), jnp.float32)
    W2 = jax.random.normal(ks[5], (1024, 512), jnp.float32) * (1.0 / np.sqrt(1024))
    b2 = jnp.zeros((512,), jnp.float32)
    W3 = jax.random.normal(ks[6], (512, 256), jnp.float32) * (1.0 / np.sqrt(512))
    b3 = jnp.zeros((256,), jnp.float32)
    W4 = jax.random.normal(ks[7], (256, 1), jnp.float32) * (1.0 / np.sqrt(256))
    b4 = jnp.zeros((1,), jnp.float32)
    return {"users": users, "businesses": businesses, "user_table": user_table, "biz_table": biz_table,
            "W1": W1, "b1": b1, "W2": W2, "b2": b2, "W3": W3, "b3": b3, "W4": W4, "b4": b4}


def reference(users, businesses, user_table, biz_table, W1, b1, W2, b2, W3, b3, W4, b4):
    # user embedding: [1, EMB] repeated to [B, EMB] (torch .repeat(len(businesses), 1))
    ue = jnp.take(user_table, users, axis=0)          # [1, EMB]
    ue = jnp.tile(ue, (businesses.shape[0], 1))        # [B, EMB]
    be = jnp.take(biz_table, businesses, axis=0)       # [B, EMB]
    x = jnp.concatenate([ue, be], axis=1)              # [B, 2*EMB]
    # dropout layers are identity in eval mode
    x = jax.nn.relu(jnp.dot(x, W1) + b1)
    x = jax.nn.relu(jnp.dot(x, W2) + b2)
    x = jax.nn.relu(jnp.dot(x, W3) + b3)
    x = jnp.dot(x, W4) + b4                            # [B, 1]
    return jnp.squeeze(x, axis=-1)                     # [B]

if __name__ == "__main__":
    import jax
    _d = setup_inputs()
    print(jax.jit(kernel)(*tuple(_d.values())))

</pallas_src>

<mosaic_0001>
#map = affine_map<(d0, d1) -> (0, 0)>
#map1 = affine_map<(d0, d1) -> (0, 0, 0)>
module attributes {stable_mosaic.version = 14 : i64} {
  func.func @_gather_body(%arg0: i32, %arg1: i32, %arg2: memref<100000x128xf32, #tpu.memory_space<hbm>>, %arg3: memref<128x1x128xi32, #tpu.memory_space<hbm>>, %arg4: memref<8192x128xf32, #tpu.memory_space<hbm>>, %arg5: memref<2x1x128xi32, #tpu.memory_space<vmem>>, %arg6: memref<2x128x128xf32, #tpu.memory_space<vmem>>, %arg7: memref<!tpu.dma_semaphore, #tpu.memory_space<semaphore_mem>>, %arg8: memref<!tpu.dma_semaphore, #tpu.memory_space<semaphore_mem>>) attributes {dimension_semantics = [#tpu.dimension_semantics<core_parallel>, #tpu.dimension_semantics<subcore_parallel>], iteration_bounds = array<i64: 2, 16>, scalar_prefetch = 0 : i64, scratch_operands = 4 : i64, tpu.core_type = #tpu.core_type<sc_vector_subcore>, window_params = [{transform_indices = #map}, {transform_indices = #map1}, {transform_indices = #map}]} {
    %mul3A = arith.constant 2 : i32
    %mul3A_0 = arith.muli %arg1, %mul3A : i32
    %add3A = arith.addi %mul3A_0, %arg0 : i32
    %mul3A_1 = arith.constant 2 : i32
    %mul3A_2 = arith.muli %add3A, %mul3A_1 : i32
    %add3A_3 = arith.constant 64 : i32
    %add3A_4 = arith.addi %add3A_3, %mul3A_2 : i32
    "tpu.region"() ({
      %run_scoped3A = tpu.sem_alloc : memref<!tpu.dma_semaphore, #tpu.memory_space<semaphore_mem>>
      %dma_start3A_119 = arith.constant 0 : i32
      %dma_start3A_120 = arith.constant 0 : i32
      %dma_start3A_121 = tpu.memref_slice %arg3[%add3A_4, %dma_start3A_119, %dma_start3A_120] : memref<128x1x128xi32, #tpu.memory_space<hbm>> -> memref<2x1x128xi32, #tpu.memory_space<hbm>>
      %dma_start3A_122 = arith.constant 0 : i32
      %dma_start3A_123 = arith.constant 0 : i32
      %dma_start3A_124 = tpu.memref_slice %arg3[%add3A_4, %dma_start3A_122, %dma_start3A_123] : memref<128x1x128xi32, #tpu.memory_space<hbm>> -> memref<2x1x128xi32, #tpu.memory_space<hbm>>
      tpu.enqueue_dma source(%dma_start3A_124 : memref<2x1x128xi32, #tpu.memory_space<hbm>>) target(%arg5 : memref<2x1x128xi32, #tpu.memory_space<vmem>>) target_semaphore(%run_scoped3A : memref<!tpu.dma_semaphore, #tpu.memory_space<semaphore_mem>>)
      %dma_wait3A_125 = arith.constant 0 : i32
      %dma_wait3A_126 = arith.constant 0 : i32
      %dma_wait3A_127 = tpu.memref_slice %arg3[%add3A_4, %dma_wait3A_125, %dma_wait3A_126] : memref<128x1x128xi32, #tpu.memory_space<hbm>> -> memref<2x1x128xi32, #tpu.memory_space<hbm>>
      %dma_wait3A_128 = arith.constant 0 : i32
      %dma_wait3A_129 = arith.constant 0 : i32
      %dma_wait3A_130 = tpu.memref_slice %arg3[%add3A_4, %dma_wait3A_128, %dma_wait3A_129] : memref<128x1x128xi32, #tpu.memory_space<hbm>> -> memref<2x1x128xi32, #tpu.memory_space<hbm>>
      tpu.wait_dma2 semaphore(%run_scoped3A : memref<!tpu.dma_semaphore, #tpu.memory_space<semaphore_mem>>) src(%dma_wait3A_130 : memref<2x1x128xi32, #tpu.memory_space<hbm>>) dst(%arg5 : memref<2x1x128xi32, #tpu.memory_space<vmem>>)
      tpu.yield
    }) : () -> ()
    %dma_start3A = arith.constant 0 : i32
    %dma_start3A_5 = arith.constant 0 : i32
    %dma_start3A_6 = arith.constant 0 : i32
    %dma_start3A_7 = arith.constant 0 : i32
    %dma_start3A_8 = arith.constant 0 : i32
    %dma_start3A_9 = tpu.memref_slice %arg6[%dma_start3A_6, %dma_start3A_7, %dma_start3A_8] : memref<2x128x128xf32, #tpu.memory_space<vmem>> -> memref<1x128x128xf32, #tpu.memory_space<vmem>>
    %dma_start3A_10 = tpu.memref_squeeze %dma_start3A_9 : memref<1x128x128xf32, #tpu.memory_space<vmem>> -> memref<128x128xf32, #tpu.memory_space<vmem>>
    %dma_start3A_11 = arith.constant 0 : i32
    %dma_start3A_12 = tpu.memref_slice %arg5[%dma_start3A, %dma_start3A_5, %dma_start3A_11] : memref<2x1x128xi32, #tpu.memory_space<vmem>> -> memref<1x1x128xi32, #tpu.memory_space<vmem>>
    %dma_start3A_13 = tpu.memref_squeeze %dma_start3A_12 : memref<1x1x128xi32, #tpu.memory_space<vmem>> -> memref<128xi32, #tpu.memory_space<vmem>>
    %dma_start3A_14 = arith.constant 0 : i32
    %dma_start3A_15 = arith.constant 0 : i32
    %dma_start3A_16 = tpu.memref_slice %arg2[%dma_start3A_14, %dma_start3A_15] : memref<100000x128xf32, #tpu.memory_space<hbm>> -> memref<100000x128xf32, #tpu.memory_space<hbm>>
    tpu.enqueue_indirect_dma source(%dma_start3A_16 : memref<100000x128xf32, #tpu.memory_space<hbm>>) target(%dma_start3A_10 : memref<128x128xf32, #tpu.memory_space<vmem>>) offsets(%dma_start3A_13 : memref<128xi32, #tpu.memory_space<vmem>>) semaphore(%arg7 : memref<!tpu.dma_semaphore, #tpu.memory_space<semaphore_mem>>)
    %dma_start3A_17 = arith.constant 1 : i32
    %dma_start3A_18 = arith.constant 0 : i32
    %dma_start3A_19 = arith.constant 1 : i32
    %dma_start3A_20 = arith.constant 0 : i32
    %dma_start3A_21 = arith.constant 0 : i32
    %dma_start3A_22 = tpu.memref_slice %arg6[%dma_start3A_19, %dma_start3A_20, %dma_start3A_21] : memref<2x128x128xf32, #tpu.memory_space<vmem>> -> memref<1x128x128xf32, #tpu.memory_space<vmem>>
    %dma_start3A_23 = tpu.memref_squeeze %dma_start3A_22 : memref<1x128x128xf32, #tpu.memory_space<vmem>> -> memref<128x128xf32, #tpu.memory_space<vmem>>
    %dma_start3A_24 = arith.constant 0 : i32
    %dma_start3A_25 = tpu.memref_slice %arg5[%dma_start3A_17, %dma_start3A_18, %dma_start3A_24] : memref<2x1x128xi32, #tpu.memory_space<vmem>> -> memref<1x1x128xi32, #tpu.memory_space<vmem>>
    %dma_start3A_26 = tpu.memref_squeeze %dma_start3A_25 : memref<1x1x128xi32, #tpu.memory_space<vmem>> -> memref<128xi32, #tpu.memory_space<vmem>>
    %dma_start3A_27 = arith.constant 0 : i32
    %dma_start3A_28 = arith.constant 0 : i32
    %dma_start3A_29 = tpu.memref_slice %arg2[%dma_start3A_27, %dma_start3A_28] : memref<100000x128xf32, #tpu.memory_space<hbm>> -> memref<100000x128xf32, #tpu.memory_space<hbm>>
    tpu.enqueue_indirect_dma source(%dma_start3A_29 : memref<100000x128xf32, #tpu.memory_space<hbm>>) target(%dma_start3A_23 : memref<128x128xf32, #tpu.memory_space<vmem>>) offsets(%dma_start3A_26 : memref<128xi32, #tpu.memory_space<vmem>>) semaphore(%arg7 : memref<!tpu.dma_semaphore, #tpu.memory_space<semaphore_mem>>)
    %dma_wait3A = arith.constant 0 : i32
    %dma_wait3A_30 = arith.constant 0 : i32
    %dma_wait3A_31 = arith.constant 0 : i32
    %dma_wait3A_32 = arith.constant 0 : i32
    %dma_wait3A_33 = arith.constant 0 : i32
    %dma_wait3A_34 = tpu.memref_slice %arg6[%dma_wait3A_31, %dma_wait3A_32, %dma_wait3A_33] : memref<2x128x128xf32, #tpu.memory_space<vmem>> -> memref<1x128x128xf32, #tpu.memory_space<vmem>>
    %dma_wait3A_35 = tpu.memref_squeeze %dma_wait3A_34 : memref<1x128x128xf32, #tpu.memory_space<vmem>> -> memref<128x128xf32, #tpu.memory_space<vmem>>
    %dma_wait3A_36 = arith.constant 0 : i32
    %dma_wait3A_37 = tpu.memref_slice %arg5[%dma_wait3A, %dma_wait3A_30, %dma_wait3A_36] : memref<2x1x128xi32, #tpu.memory_space<vmem>> -> memref<1x1x128xi32, #tpu.memory_space<vmem>>
    %dma_wait3A_38 = tpu.memref_squeeze %dma_wait3A_37 : memref<1x1x128xi32, #tpu.memory_space<vmem>> -> memref<128xi32, #tpu.memory_space<vmem>>
    %dma_wait3A_39 = arith.constant 0 : i32
    %dma_wait3A_40 = arith.constant 0 : i32
    %dma_wait3A_41 = tpu.memref_slice %arg2[%dma_wait3A_39, %dma_wait3A_40] : memref<100000x128xf32, #tpu.memory_space<hbm>> -> memref<100000x128xf32, #tpu.memory_space<hbm>>
    tpu.wait_indirect_dma semaphore(%arg7 : memref<!tpu.dma_semaphore, #tpu.memory_space<semaphore_mem>>) src(%dma_wait3A_41 : memref<100000x128xf32, #tpu.memory_space<hbm>>) dst(%dma_wait3A_35 : memref<128x128xf32, #tpu.memory_space<vmem>>)
    %mul3A_42 = arith.constant 2 : i32
    %mul3A_43 = arith.muli %add3A, %mul3A_42 : i32
    %add3A_44 = arith.constant 0 : i32
    %add3A_45 = arith.addi %mul3A_43, %add3A_44 : i32
    %mul3A_46 = arith.constant 128 : i32
    %mul3A_47 = arith.muli %add3A_45, %mul3A_46 : i32
    %dma_start3A_48 = arith.constant 0 : i32
    %dma_start3A_49 = arith.constant 0 : i32
    %dma_start3A_50 = arith.constant 0 : i32
    %dma_start3A_51 = tpu.memref_slice %arg6[%dma_start3A_48, %dma_start3A_49, %dma_start3A_50] : memref<2x128x128xf32, #tpu.memory_space<vmem>> -> memref<1x128x128xf32, #tpu.memory_space<vmem>>
    %dma_start3A_52 = tpu.memref_squeeze %dma_start3A_51 : memref<1x128x128xf32, #tpu.memory_space<vmem>> -> memref<128x128xf32, #tpu.memory_space<vmem>>
    %dma_start3A_53 = arith.constant 0 : i32
    %dma_start3A_54 = tpu.memref_slice %arg4[%mul3A_47, %dma_start3A_53] : memref<8192x128xf32, #tpu.memory_space<hbm>> -> memref<128x128xf32, #tpu.memory_space<hbm>>
    %dma_start3A_55 = arith.constant 0 : i32
    %dma_start3A_56 = tpu.memref_slice %arg4[%mul3A_47, %dma_start3A_55] : memref<8192x128xf32, #tpu.memory_space<hbm>> -> memref<128x128xf32, #tpu.memory_space<hbm>>
    %dma_start3A_57 = arith.constant 0 : i32
    %dma_start3A_58 = arith.constant 0 : i32
    %dma_start3A_59 = tpu.memref_slice %arg6[%dma_start3A_48, %dma_start3A_57, %dma_start3A_58] : memref<2x128x128xf32, #tpu.memory_space<vmem>> -> memref<1x128x128xf32, #tpu.memory_space<vmem>>
    %dma_start3A_60 = tpu.memref_squeeze %dma_start3A_59 : memref<1x128x128xf32, #tpu.memory_space<vmem>> -> memref<128x128xf32, #tpu.memory_space<vmem>>
    tpu.enqueue_dma source(%dma_start3A_60 : memref<128x128xf32, #tpu.memory_space<vmem>>) target(%dma_start3A_56 : memref<128x128xf32, #tpu.memory_space<hbm>>) target_semaphore(%arg8 : memref<!tpu.dma_semaphore, #tpu.memory_space<semaphore_mem>>)
    %dma_wait3A_61 = arith.constant 1 : i32
    %dma_wait3A_62 = arith.constant 0 : i32
    %dma_wait3A_63 = arith.constant 1 : i32
    %dma_wait3A_64 = arith.constant 0 : i32
    %dma_wait3A_65 = arith.constant 0 : i32
    %dma_wait3A_66 = tpu.memref_slice %arg6[%dma_wait3A_63, %dma_wait3A_64, %dma_wait3A_65] : memref<2x128x128xf32, #tpu.memory_space<vmem>> -> memref<1x128x128xf32, #tpu.memory_space<vmem>>
    %dma_wait3A_67 = tpu.memref_squeeze %dma_wait3A_66 : memref<1x128x128xf32, #tpu.memory_space<vmem>> -> memref<128x128xf32, #tpu.memory_space<vmem>>
    %dma_wait3A_68 = arith.constant 0 : i32
    %dma_wait3A_69 = tpu.memref_slice %arg5[%dma_wait3A_61, %dma_wait3A_62, %dma_wait3A_68] : memref<2x1x128xi32, #tpu.memory_space<vmem>> -> memref<1x1x128xi32, #tpu.memory_space<vmem>>
    %dma_wait3A_70 = tpu.memref_squeeze %dma_wait3A_69 : memref<1x1x128xi32, #tpu.memory_space<vmem>> -> memref<128xi32, #tpu.memory_space<vmem>>
    %dma_wait3A_71 = arith.constant 0 : i32
    %dma_wait3A_72 = arith.constant 0 : i32
    %dma_wait3A_73 = tpu.memref_slice %arg2[%dma_wait3A_71, %dma_wait3A_72] : memref<100000x128xf32, #tpu.memory_space<hbm>> -> memref<100000x128xf32, #tpu.memory_space<hbm>>
    tpu.wait_indirect_dma semaphore(%arg7 : memref<!tpu.dma_semaphore, #tpu.memory_space<semaphore_mem>>) src(%dma_wait3A_73 : memref<100000x128xf32, #tpu.memory_space<hbm>>) dst(%dma_wait3A_67 : memref<128x128xf32, #tpu.memory_space<vmem>>)
    %mul3A_74 = arith.constant 2 : i32
    %mul3A_75 = arith.muli %add3A, %mul3A_74 : i32
    %add3A_76 = arith.constant 1 : i32
    %add3A_77 = arith.addi %mul3A_75, %add3A_76 : i32
    %mul3A_78 = arith.constant 128 : i32
    %mul3A_79 = arith.muli %add3A_77, %mul3A_78 : i32
    %dma_start3A_80 = arith.constant 1 : i32
    %dma_start3A_81 = arith.constant 0 : i32
    %dma_start3A_82 = arith.constant 0 : i32
    %dma_start3A_83 = tpu.memref_slice %arg6[%dma_start3A_80, %dma_start3A_81, %dma_start3A_82] : memref<2x128x128xf32, #tpu.memory_space<vmem>> -> memref<1x128x128xf32, #tpu.memory_space<vmem>>
    %dma_start3A_84 = tpu.memref_squeeze %dma_start3A_83 : memref<1x128x128xf32, #tpu.memory_space<vmem>> -> memref<128x128xf32, #tpu.memory_space<vmem>>
    %dma_start3A_85 = arith.constant 0 : i32
    %dma_start3A_86 = tpu.memref_slice %arg4[%mul3A_79, %dma_start3A_85] : memref<8192x128xf32, #tpu.memory_space<hbm>> -> memref<128x128xf32, #tpu.memory_space<hbm>>
    %dma_start3A_87 = arith.constant 0 : i32
    %dma_start3A_88 = tpu.memref_slice %arg4[%mul3A_79, %dma_start3A_87] : memref<8192x128xf32, #tpu.memory_space<hbm>> -> memref<128x128xf32, #tpu.memory_space<hbm>>
    %dma_start3A_89 = arith.constant 0 : i32
    %dma_start3A_90 = arith.constant 0 : i32
    %dma_start3A_91 = tpu.memref_slice %arg6[%dma_start3A_80, %dma_start3A_89, %dma_start3A_90] : memref<2x128x128xf32, #tpu.memory_space<vmem>> -> memref<1x128x128xf32, #tpu.memory_space<vmem>>
    %dma_start3A_92 = tpu.memref_squeeze %dma_start3A_91 : memref<1x128x128xf32, #tpu.memory_space<vmem>> -> memref<128x128xf32, #tpu.memory_space<vmem>>
    tpu.enqueue_dma source(%dma_start3A_92 : memref<128x128xf32, #tpu.memory_space<vmem>>) target(%dma_start3A_88 : memref<128x128xf32, #tpu.memory_space<hbm>>) target_semaphore(%arg8 : memref<!tpu.dma_semaphore, #tpu.memory_space<semaphore_mem>>)
    %dma_wait3A_93 = arith.constant 0 : i32
    %dma_wait3A_94 = arith.constant 0 : i32
    %dma_wait3A_95 = arith.constant 0 : i32
    %dma_wait3A_96 = tpu.memref_slice %arg6[%dma_wait3A_93, %dma_wait3A_94, %dma_wait3A_95] : memref<2x128x128xf32, #tpu.memory_space<vmem>> -> memref<1x128x128xf32, #tpu.memory_space<vmem>>
    %dma_wait3A_97 = tpu.memref_squeeze %dma_wait3A_96 : memref<1x128x128xf32, #tpu.memory_space<vmem>> -> memref<128x128xf32, #tpu.memory_space<vmem>>
    %dma_wait3A_98 = arith.constant 0 : i32
    %dma_wait3A_99 = tpu.memref_slice %arg4[%mul3A_47, %dma_wait3A_98] : memref<8192x128xf32, #tpu.memory_space<hbm>> -> memref<128x128xf32, #tpu.memory_space<hbm>>
    %dma_wait3A_100 = arith.constant 0 : i32
    %dma_wait3A_101 = tpu.memref_slice %arg4[%mul3A_47, %dma_wait3A_100] : memref<8192x128xf32, #tpu.memory_space<hbm>> -> memref<128x128xf32, #tpu.memory_space<hbm>>
    %dma_wait3A_102 = arith.constant 0 : i32
    %dma_wait3A_103 = arith.constant 0 : i32
    %dma_wait3A_104 = tpu.memref_slice %arg6[%dma_wait3A_93, %dma_wait3A_102, %dma_wait3A_103] : memref<2x128x128xf32, #tpu.memory_space<vmem>> -> memref<1x128x128xf32, #tpu.memory_space<vmem>>
    %dma_wait3A_105 = tpu.memref_squeeze %dma_wait3A_104 : memref<1x128x128xf32, #tpu.memory_space<vmem>> -> memref<128x128xf32, #tpu.memory_space<vmem>>
    tpu.wait_dma2 semaphore(%arg8 : memref<!tpu.dma_semaphore, #tpu.memory_space<semaphore_mem>>) src(%dma_wait3A_105 : memref<128x128xf32, #tpu.memory_space<vmem>>) dst(%dma_wait3A_101 : memref<128x128xf32, #tpu.memory_space<hbm>>)
    %dma_wait3A_106 = arith.constant 1 : i32
    %dma_wait3A_107 = arith.constant 0 : i32
    %dma_wait3A_108 = arith.constant 0 : i32
    %dma_wait3A_109 = tpu.memref_slice %arg6[%dma_wait3A_106, %dma_wait3A_107, %dma_wait3A_108] : memref<2x128x128xf32, #tpu.memory_space<vmem>> -> memref<1x128x128xf32, #tpu.memory_space<vmem>>
    %dma_wait3A_110 = tpu.memref_squeeze %dma_wait3A_109 : memref<1x128x128xf32, #tpu.memory_space<vmem>> -> memref<128x128xf32, #tpu.memory_space<vmem>>
    %dma_wait3A_111 = arith.constant 0 : i32
    %dma_wait3A_112 = tpu.memref_slice %arg4[%mul3A_79, %dma_wait3A_111] : memref<8192x128xf32, #tpu.memory_space<hbm>> -> memref<128x128xf32, #tpu.memory_space<hbm>>
    %dma_wait3A_113 = arith.constant 0 : i32
    %dma_wait3A_114 = tpu.memref_slice %arg4[%mul3A_79, %dma_wait3A_113] : memref<8192x128xf32, #tpu.memory_space<hbm>> -> memref<128x128xf32, #tpu.memory_space<hbm>>
    %dma_wait3A_115 = arith.constant 0 : i32
    %dma_wait3A_116 = arith.constant 0 : i32
    %dma_wait3A_117 = tpu.memref_slice %arg6[%dma_wait3A_106, %dma_wait3A_115, %dma_wait3A_116] : memref<2x128x128xf32, #tpu.memory_space<vmem>> -> memref<1x128x128xf32, #tpu.memory_space<vmem>>
    %dma_wait3A_118 = tpu.memref_squeeze %dma_wait3A_117 : memref<1x128x128xf32, #tpu.memory_space<vmem>> -> memref<128x128xf32, #tpu.memory_space<vmem>>
    tpu.wait_dma2 semaphore(%arg8 : memref<!tpu.dma_semaphore, #tpu.memory_space<semaphore_mem>>) src(%dma_wait3A_118 : memref<128x128xf32, #tpu.memory_space<vmem>>) dst(%dma_wait3A_114 : memref<128x128xf32, #tpu.memory_space<hbm>>)
    return
  }
}

#map = affine_map<(d0, d1) -> (0, 0)>
#map1 = affine_map<(d0, d1) -> (0, 0, 0)>
module attributes {stable_mosaic.version = 14 : i64} {
  func.func @_gather_body(%arg0: i32, %arg1: i32, %arg2: memref<100000x128xf32, #tpu.memory_space<hbm>>, %arg3: memref<128x1x128xi32, #tpu.memory_space<hbm>>, %arg4: memref<8192x128xf32, #tpu.memory_space<hbm>>, %arg5: memref<2x1x128xi32, #tpu.memory_space<vmem>>, %arg6: memref<2x128x128xf32, #tpu.memory_space<vmem>>, %arg7: memref<!tpu.dma_semaphore, #tpu.memory_space<semaphore_mem>>, %arg8: memref<!tpu.dma_semaphore, #tpu.memory_space<semaphore_mem>>) attributes {dimension_semantics = [#tpu.dimension_semantics<core_parallel>, #tpu.dimension_semantics<subcore_parallel>], iteration_bounds = array<i64: 2, 16>, scalar_prefetch = 0 : i64, scratch_operands = 4 : i64, tpu.core_type = #tpu.core_type<sc_vector_subcore>, window_params = [{transform_indices = #map}, {transform_indices = #map1}, {transform_indices = #map}]} {
    %mul3A = arith.constant 2 : i32
    %mul3A_0 = arith.muli %arg1, %mul3A : i32
    %add3A = arith.addi %mul3A_0, %arg0 : i32
    %mul3A_1 = arith.constant 2 : i32
    %mul3A_2 = arith.muli %add3A, %mul3A_1 : i32
    %add3A_3 = arith.constant 0 : i32
    %add3A_4 = arith.addi %add3A_3, %mul3A_2 : i32
    "tpu.region"() ({
      %run_scoped3A = tpu.sem_alloc : memref<!tpu.dma_semaphore, #tpu.memory_space<semaphore_mem>>
      %dma_start3A_119 = arith.constant 0 : i32
      %dma_start3A_120 = arith.constant 0 : i32
      %dma_start3A_121 = tpu.memref_slice %arg3[%add3A_4, %dma_start3A_119, %dma_start3A_120] : memref<128x1x128xi32, #tpu.memory_space<hbm>> -> memref<2x1x128xi32, #tpu.memory_space<hbm>>
      %dma_start3A_122 = arith.constant 0 : i32
      %dma_start3A_123 = arith.constant 0 : i32
      %dma_start3A_124 = tpu.memref_slice %arg3[%add3A_4, %dma_start3A_122, %dma_start3A_123] : memref<128x1x128xi32, #tpu.memory_space<hbm>> -> memref<2x1x128xi32, #tpu.memory_space<hbm>>
      tpu.enqueue_dma source(%dma_start3A_124 : memref<2x1x128xi32, #tpu.memory_space<hbm>>) target(%arg5 : memref<2x1x128xi32, #tpu.memory_space<vmem>>) target_semaphore(%run_scoped3A : memref<!tpu.dma_semaphore, #tpu.memory_space<semaphore_mem>>)
      %dma_wait3A_125 = arith.constant 0 : i32
      %dma_wait3A_126 = arith.constant 0 : i32
      %dma_wait3A_127 = tpu.memref_slice %arg3[%add3A_4, %dma_wait3A_125, %dma_wait3A_126] : memref<128x1x128xi32, #tpu.memory_space<hbm>> -> memref<2x1x128xi32, #tpu.memory_space<hbm>>
      %dma_wait3A_128 = arith.constant 0 : i32
      %dma_wait3A_129 = arith.constant 0 : i32
      %dma_wait3A_130 = tpu.memref_slice %arg3[%add3A_4, %dma_wait3A_128, %dma_wait3A_129] : memref<128x1x128xi32, #tpu.memory_space<hbm>> -> memref<2x1x128xi32, #tpu.memory_space<hbm>>
      tpu.wait_dma2 semaphore(%run_scoped3A : memref<!tpu.dma_semaphore, #tpu.memory_space<semaphore_mem>>) src(%dma_wait3A_130 : memref<2x1x128xi32, #tpu.memory_space<hbm>>) dst(%arg5 : memref<2x1x128xi32, #tpu.memory_space<vmem>>)
      tpu.yield
    }) : () -> ()
    %dma_start3A = arith.constant 0 : i32
    %dma_start3A_5 = arith.constant 0 : i32
    %dma_start3A_6 = arith.constant 0 : i32
    %dma_start3A_7 = arith.constant 0 : i32
    %dma_start3A_8 = arith.constant 0 : i32
    %dma_start3A_9 = tpu.memref_slice %arg6[%dma_start3A_6, %dma_start3A_7, %dma_start3A_8] : memref<2x128x128xf32, #tpu.memory_space<vmem>> -> memref<1x128x128xf32, #tpu.memory_space<vmem>>
    %dma_start3A_10 = tpu.memref_squeeze %dma_start3A_9 : memref<1x128x128xf32, #tpu.memory_space<vmem>> -> memref<128x128xf32, #tpu.memory_space<vmem>>
    %dma_start3A_11 = arith.constant 0 : i32
    %dma_start3A_12 = tpu.memref_slice %arg5[%dma_start3A, %dma_start3A_5, %dma_start3A_11] : memref<2x1x128xi32, #tpu.memory_space<vmem>> -> memref<1x1x128xi32, #tpu.memory_space<vmem>>
    %dma_start3A_13 = tpu.memref_squeeze %dma_start3A_12 : memref<1x1x128xi32, #tpu.memory_space<vmem>> -> memref<128xi32, #tpu.memory_space<vmem>>
    %dma_start3A_14 = arith.constant 0 : i32
    %dma_start3A_15 = arith.constant 0 : i32
    %dma_start3A_16 = tpu.memref_slice %arg2[%dma_start3A_14, %dma_start3A_15] : memref<100000x128xf32, #tpu.memory_space<hbm>> -> memref<100000x128xf32, #tpu.memory_space<hbm>>
    tpu.enqueue_indirect_dma source(%dma_start3A_16 : memref<100000x128xf32, #tpu.memory_space<hbm>>) target(%dma_start3A_10 : memref<128x128xf32, #tpu.memory_space<vmem>>) offsets(%dma_start3A_13 : memref<128xi32, #tpu.memory_space<vmem>>) semaphore(%arg7 : memref<!tpu.dma_semaphore, #tpu.memory_space<semaphore_mem>>)
    %dma_start3A_17 = arith.constant 1 : i32
    %dma_start3A_18 = arith.constant 0 : i32
    %dma_start3A_19 = arith.constant 1 : i32
    %dma_start3A_20 = arith.constant 0 : i32
    %dma_start3A_21 = arith.constant 0 : i32
    %dma_start3A_22 = tpu.memref_slice %arg6[%dma_start3A_19, %dma_start3A_20, %dma_start3A_21] : memref<2x128x128xf32, #tpu.memory_space<vmem>> -> memref<1x128x128xf32, #tpu.memory_space<vmem>>
    %dma_start3A_23 = tpu.memref_squeeze %dma_start3A_22 : memref<1x128x128xf32, #tpu.memory_space<vmem>> -> memref<128x128xf32, #tpu.memory_space<vmem>>
    %dma_start3A_24 = arith.constant 0 : i32
    %dma_start3A_25 = tpu.memref_slice %arg5[%dma_start3A_17, %dma_start3A_18, %dma_start3A_24] : memref<2x1x128xi32, #tpu.memory_space<vmem>> -> memref<1x1x128xi32, #tpu.memory_space<vmem>>
    %dma_start3A_26 = tpu.memref_squeeze %dma_start3A_25 : memref<1x1x128xi32, #tpu.memory_space<vmem>> -> memref<128xi32, #tpu.memory_space<vmem>>
    %dma_start3A_27 = arith.constant 0 : i32
    %dma_start3A_28 = arith.constant 0 : i32
    %dma_start3A_29 = tpu.memref_slice %arg2[%dma_start3A_27, %dma_start3A_28] : memref<100000x128xf32, #tpu.memory_space<hbm>> -> memref<100000x128xf32, #tpu.memory_space<hbm>>
    tpu.enqueue_indirect_dma source(%dma_start3A_29 : memref<100000x128xf32, #tpu.memory_space<hbm>>) target(%dma_start3A_23 : memref<128x128xf32, #tpu.memory_space<vmem>>) offsets(%dma_start3A_26 : memref<128xi32, #tpu.memory_space<vmem>>) semaphore(%arg7 : memref<!tpu.dma_semaphore, #tpu.memory_space<semaphore_mem>>)
    %dma_wait3A = arith.constant 0 : i32
    %dma_wait3A_30 = arith.constant 0 : i32
    %dma_wait3A_31 = arith.constant 0 : i32
    %dma_wait3A_32 = arith.constant 0 : i32
    %dma_wait3A_33 = arith.constant 0 : i32
    %dma_wait3A_34 = tpu.memref_slice %arg6[%dma_wait3A_31, %dma_wait3A_32, %dma_wait3A_33] : memref<2x128x128xf32, #tpu.memory_space<vmem>> -> memref<1x128x128xf32, #tpu.memory_space<vmem>>
    %dma_wait3A_35 = tpu.memref_squeeze %dma_wait3A_34 : memref<1x128x128xf32, #tpu.memory_space<vmem>> -> memref<128x128xf32, #tpu.memory_space<vmem>>
    %dma_wait3A_36 = arith.constant 0 : i32
    %dma_wait3A_37 = tpu.memref_slice %arg5[%dma_wait3A, %dma_wait3A_30, %dma_wait3A_36] : memref<2x1x128xi32, #tpu.memory_space<vmem>> -> memref<1x1x128xi32, #tpu.memory_space<vmem>>
    %dma_wait3A_38 = tpu.memref_squeeze %dma_wait3A_37 : memref<1x1x128xi32, #tpu.memory_space<vmem>> -> memref<128xi32, #tpu.memory_space<vmem>>
    %dma_wait3A_39 = arith.constant 0 : i32
    %dma_wait3A_40 = arith.constant 0 : i32
    %dma_wait3A_41 = tpu.memref_slice %arg2[%dma_wait3A_39, %dma_wait3A_40] : memref<100000x128xf32, #tpu.memory_space<hbm>> -> memref<100000x128xf32, #tpu.memory_space<hbm>>
    tpu.wait_indirect_dma semaphore(%arg7 : memref<!tpu.dma_semaphore, #tpu.memory_space<semaphore_mem>>) src(%dma_wait3A_41 : memref<100000x128xf32, #tpu.memory_space<hbm>>) dst(%dma_wait3A_35 : memref<128x128xf32, #tpu.memory_space<vmem>>)
    %mul3A_42 = arith.constant 2 : i32
    %mul3A_43 = arith.muli %add3A, %mul3A_42 : i32
    %add3A_44 = arith.constant 0 : i32
    %add3A_45 = arith.addi %mul3A_43, %add3A_44 : i32
    %mul3A_46 = arith.constant 128 : i32
    %mul3A_47 = arith.muli %add3A_45, %mul3A_46 : i32
    %dma_start3A_48 = arith.constant 0 : i32
    %dma_start3A_49 = arith.constant 0 : i32
    %dma_start3A_50 = arith.constant 0 : i32
    %dma_start3A_51 = tpu.memref_slice %arg6[%dma_start3A_48, %dma_start3A_49, %dma_start3A_50] : memref<2x128x128xf32, #tpu.memory_space<vmem>> -> memref<1x128x128xf32, #tpu.memory_space<vmem>>
    %dma_start3A_52 = tpu.memref_squeeze %dma_start3A_51 : memref<1x128x128xf32, #tpu.memory_space<vmem>> -> memref<128x128xf32, #tpu.memory_space<vmem>>
    %dma_start3A_53 = arith.constant 0 : i32
    %dma_start3A_54 = tpu.memref_slice %arg4[%mul3A_47, %dma_start3A_53] : memref<8192x128xf32, #tpu.memory_space<hbm>> -> memref<128x128xf32, #tpu.memory_space<hbm>>
    %dma_start3A_55 = arith.constant 0 : i32
    %dma_start3A_56 = tpu.memref_slice %arg4[%mul3A_47, %dma_start3A_55] : memref<8192x128xf32, #tpu.memory_space<hbm>> -> memref<128x128xf32, #tpu.memory_space<hbm>>
    %dma_start3A_57 = arith.constant 0 : i32
    %dma_start3A_58 = arith.constant 0 : i32
    %dma_start3A_59 = tpu.memref_slice %arg6[%dma_start3A_48, %dma_start3A_57, %dma_start3A_58] : memref<2x128x128xf32, #tpu.memory_space<vmem>> -> memref<1x128x128xf32, #tpu.memory_space<vmem>>
    %dma_start3A_60 = tpu.memref_squeeze %dma_start3A_59 : memref<1x128x128xf32, #tpu.memory_space<vmem>> -> memref<128x128xf32, #tpu.memory_space<vmem>>
    tpu.enqueue_dma source(%dma_start3A_60 : memref<128x128xf32, #tpu.memory_space<vmem>>) target(%dma_start3A_56 : memref<128x128xf32, #tpu.memory_space<hbm>>) target_semaphore(%arg8 : memref<!tpu.dma_semaphore, #tpu.memory_space<semaphore_mem>>)
    %dma_wait3A_61 = arith.constant 1 : i32
    %dma_wait3A_62 = arith.constant 0 : i32
    %dma_wait3A_63 = arith.constant 1 : i32
    %dma_wait3A_64 = arith.constant 0 : i32
    %dma_wait3A_65 = arith.constant 0 : i32
    %dma_wait3A_66 = tpu.memref_slice %arg6[%dma_wait3A_63, %dma_wait3A_64, %dma_wait3A_65] : memref<2x128x128xf32, #tpu.memory_space<vmem>> -> memref<1x128x128xf32, #tpu.memory_space<vmem>>
    %dma_wait3A_67 = tpu.memref_squeeze %dma_wait3A_66 : memref<1x128x128xf32, #tpu.memory_space<vmem>> -> memref<128x128xf32, #tpu.memory_space<vmem>>
    %dma_wait3A_68 = arith.constant 0 : i32
    %dma_wait3A_69 = tpu.memref_slice %arg5[%dma_wait3A_61, %dma_wait3A_62, %dma_wait3A_68] : memref<2x1x128xi32, #tpu.memory_space<vmem>> -> memref<1x1x128xi32, #tpu.memory_space<vmem>>
    %dma_wait3A_70 = tpu.memref_squeeze %dma_wait3A_69 : memref<1x1x128xi32, #tpu.memory_space<vmem>> -> memref<128xi32, #tpu.memory_space<vmem>>
    %dma_wait3A_71 = arith.constant 0 : i32
    %dma_wait3A_72 = arith.constant 0 : i32
    %dma_wait3A_73 = tpu.memref_slice %arg2[%dma_wait3A_71, %dma_wait3A_72] : memref<100000x128xf32, #tpu.memory_space<hbm>> -> memref<100000x128xf32, #tpu.memory_space<hbm>>
    tpu.wait_indirect_dma semaphore(%arg7 : memref<!tpu.dma_semaphore, #tpu.memory_space<semaphore_mem>>) src(%dma_wait3A_73 : memref<100000x128xf32, #tpu.memory_space<hbm>>) dst(%dma_wait3A_67 : memref<128x128xf32, #tpu.memory_space<vmem>>)
    %mul3A_74 = arith.constant 2 : i32
    %mul3A_75 = arith.muli %add3A, %mul3A_74 : i32
    %add3A_76 = arith.constant 1 : i32
    %add3A_77 = arith.addi %mul3A_75, %add3A_76 : i32
    %mul3A_78 = arith.constant 128 : i32
    %mul3A_79 = arith.muli %add3A_77, %mul3A_78 : i32
    %dma_start3A_80 = arith.constant 1 : i32
    %dma_start3A_81 = arith.constant 0 : i32
    %dma_start3A_82 = arith.constant 0 : i32
    %dma_start3A_83 = tpu.memref_slice %arg6[%dma_start3A_80, %dma_start3A_81, %dma_start3A_82] : memref<2x128x128xf32, #tpu.memory_space<vmem>> -> memref<1x128x128xf32, #tpu.memory_space<vmem>>
    %dma_start3A_84 = tpu.memref_squeeze %dma_start3A_83 : memref<1x128x128xf32, #tpu.memory_space<vmem>> -> memref<128x128xf32, #tpu.memory_space<vmem>>
    %dma_start3A_85 = arith.constant 0 : i32
    %dma_start3A_86 = tpu.memref_slice %arg4[%mul3A_79, %dma_start3A_85] : memref<8192x128xf32, #tpu.memory_space<hbm>> -> memref<128x128xf32, #tpu.memory_space<hbm>>
    %dma_start3A_87 = arith.constant 0 : i32
    %dma_start3A_88 = tpu.memref_slice %arg4[%mul3A_79, %dma_start3A_87] : memref<8192x128xf32, #tpu.memory_space<hbm>> -> memref<128x128xf32, #tpu.memory_space<hbm>>
    %dma_start3A_89 = arith.constant 0 : i32
    %dma_start3A_90 = arith.constant 0 : i32
    %dma_start3A_91 = tpu.memref_slice %arg6[%dma_start3A_80, %dma_start3A_89, %dma_start3A_90] : memref<2x128x128xf32, #tpu.memory_space<vmem>> -> memref<1x128x128xf32, #tpu.memory_space<vmem>>
    %dma_start3A_92 = tpu.memref_squeeze %dma_start3A_91 : memref<1x128x128xf32, #tpu.memory_space<vmem>> -> memref<128x128xf32, #tpu.memory_space<vmem>>
    tpu.enqueue_dma source(%dma_start3A_92 : memref<128x128xf32, #tpu.memory_space<vmem>>) target(%dma_start3A_88 : memref<128x128xf32, #tpu.memory_space<hbm>>) target_semaphore(%arg8 : memref<!tpu.dma_semaphore, #tpu.memory_space<semaphore_mem>>)
    %dma_wait3A_93 = arith.constant 0 : i32
    %dma_wait3A_94 = arith.constant 0 : i32
    %dma_wait3A_95 = arith.constant 0 : i32
    %dma_wait3A_96 = tpu.memref_slice %arg6[%dma_wait3A_93, %dma_wait3A_94, %dma_wait3A_95] : memref<2x128x128xf32, #tpu.memory_space<vmem>> -> memref<1x128x128xf32, #tpu.memory_space<vmem>>
    %dma_wait3A_97 = tpu.memref_squeeze %dma_wait3A_96 : memref<1x128x128xf32, #tpu.memory_space<vmem>> -> memref<128x128xf32, #tpu.memory_space<vmem>>
    %dma_wait3A_98 = arith.constant 0 : i32
    %dma_wait3A_99 = tpu.memref_slice %arg4[%mul3A_47, %dma_wait3A_98] : memref<8192x128xf32, #tpu.memory_space<hbm>> -> memref<128x128xf32, #tpu.memory_space<hbm>>
    %dma_wait3A_100 = arith.constant 0 : i32
    %dma_wait3A_101 = tpu.memref_slice %arg4[%mul3A_47, %dma_wait3A_100] : memref<8192x128xf32, #tpu.memory_space<hbm>> -> memref<128x128xf32, #tpu.memory_space<hbm>>
    %dma_wait3A_102 = arith.constant 0 : i32
    %dma_wait3A_103 = arith.constant 0 : i32
    %dma_wait3A_104 = tpu.memref_slice %arg6[%dma_wait3A_93, %dma_wait3A_102, %dma_wait3A_103] : memref<2x128x128xf32, #tpu.memory_space<vmem>> -> memref<1x128x128xf32, #tpu.memory_space<vmem>>
    %dma_wait3A_105 = tpu.memref_squeeze %dma_wait3A_104 : memref<1x128x128xf32, #tpu.memory_space<vmem>> -> memref<128x128xf32, #tpu.memory_space<vmem>>
    tpu.wait_dma2 semaphore(%arg8 : memref<!tpu.dma_semaphore, #tpu.memory_space<semaphore_mem>>) src(%dma_wait3A_105 : memref<128x128xf32, #tpu.memory_space<vmem>>) dst(%dma_wait3A_101 : memref<128x128xf32, #tpu.memory_space<hbm>>)
    %dma_wait3A_106 = arith.constant 1 : i32
    %dma_wait3A_107 = arith.constant 0 : i32
    %dma_wait3A_108 = arith.constant 0 : i32
    %dma_wait3A_109 = tpu.memref_slice %arg6[%dma_wait3A_106, %dma_wait3A_107, %dma_wait3A_108] : memref<2x128x128xf32, #tpu.memory_space<vmem>> -> memref<1x128x128xf32, #tpu.memory_space<vmem>>
    %dma_wait3A_110 = tpu.memref_squeeze %dma_wait3A_109 : memref<1x128x128xf32, #tpu.memory_space<vmem>> -> memref<128x128xf32, #tpu.memory_space<vmem>>
    %dma_wait3A_111 = arith.constant 0 : i32
    %dma_wait3A_112 = tpu.memref_slice %arg4[%mul3A_79, %dma_wait3A_111] : memref<8192x128xf32, #tpu.memory_space<hbm>> -> memref<128x128xf32, #tpu.memory_space<hbm>>
    %dma_wait3A_113 = arith.constant 0 : i32
    %dma_wait3A_114 = tpu.memref_slice %arg4[%mul3A_79, %dma_wait3A_113] : memref<8192x128xf32, #tpu.memory_space<hbm>> -> memref<128x128xf32, #tpu.memory_space<hbm>>
    %dma_wait3A_115 = arith.constant 0 : i32
    %dma_wait3A_116 = arith.constant 0 : i32
    %dma_wait3A_117 = tpu.memref_slice %arg6[%dma_wait3A_106, %dma_wait3A_115, %dma_wait3A_116] : memref<2x128x128xf32, #tpu.memory_space<vmem>> -> memref<1x128x128xf32, #tpu.memory_space<vmem>>
    %dma_wait3A_118 = tpu.memref_squeeze %dma_wait3A_117 : memref<1x128x128xf32, #tpu.memory_space<vmem>> -> memref<128x128xf32, #tpu.memory_space<vmem>>
    tpu.wait_dma2 semaphore(%arg8 : memref<!tpu.dma_semaphore, #tpu.memory_space<semaphore_mem>>) src(%dma_wait3A_118 : memref<128x128xf32, #tpu.memory_space<vmem>>) dst(%dma_wait3A_114 : memref<128x128xf32, #tpu.memory_space<hbm>>)
    return
  }
}

module attributes {stable_mosaic.version = 14 : i64} {
  func.func @_mlp_body(%arg0: i32, %arg1: memref<1xi32, #tpu.memory_space<smem>>, %arg2: memref<1x1x128xf32, #tpu.memory_space<vmem>>, %arg3: memref<4096x128xf32, #tpu.memory_space<vmem>>, %arg4: memref<256x1024xf32, #tpu.memory_space<vmem>>, %arg5: memref<1x1024xf32, #tpu.memory_space<vmem>>, %arg6: memref<1024x512xf32, #tpu.memory_space<vmem>>, %arg7: memref<1x512xf32, #tpu.memory_space<vmem>>, %arg8: memref<512x256xf32, #tpu.memory_space<vmem>>, %arg9: memref<1x256xf32, #tpu.memory_space<vmem>>, %arg10: memref<1x256xf32, #tpu.memory_space<vmem>>, %arg11: memref<1x1xf32, #tpu.memory_space<vmem>>, %arg12: memref<1x4096xf32, #tpu.memory_space<vmem>>) attributes {dimension_semantics = [#tpu.dimension_semantics<arbitrary>], iteration_bounds = array<i64: 2>, scalar_prefetch = 1 : i64, scratch_operands = 0 : i64, tpu.core_type = #tpu.core_type<tc>, window_params = [{transform_indices = @transform_0, window_bounds = array<i64: 1, 1, 128>}, {transform_indices = @transform_1, window_bounds = array<i64: 4096, 128>}, {pipeline_mode = #tpu.pipeline_mode<synchronous>, transform_indices = @transform_2, window_bounds = array<i64: 256, 1024>}, {pipeline_mode = #tpu.pipeline_mode<synchronous>, transform_indices = @transform_3, window_bounds = array<i64: 1, 1024>}, {pipeline_mode = #tpu.pipeline_mode<synchronous>, transform_indices = @transform_4, window_bounds = array<i64: 1024, 512>}, {pipeline_mode = #tpu.pipeline_mode<synchronous>, transform_indices = @transform_5, window_bounds = array<i64: 1, 512>}, {pipeline_mode = #tpu.pipeline_mode<synchronous>, transform_indices = @transform_6, window_bounds = array<i64: 512, 256>}, {pipeline_mode = #tpu.pipeline_mode<synchronous>, transform_indices = @transform_7, window_bounds = array<i64: 1, 256>}, {pipeline_mode = #tpu.pipeline_mode<synchronous>, transform_indices = @transform_8, window_bounds = array<i64: 1, 256>}, {pipeline_mode = #tpu.pipeline_mode<synchronous>, transform_indices = @transform_9, window_bounds = array<i64: 1, 1>}, {transform_indices = @transform_10, window_bounds = array<i64: 1, 4096>}]} {
    %get3A = arith.constant 0 : index
    %get3A_0 = arith.constant 0 : index
    %get3A_1 = arith.constant 0 : index
    %get3A_2 = vector.load %arg2[%get3A, %get3A_0, %get3A_1] : memref<1x1x128xf32, #tpu.memory_space<vmem>>, vector<1x1x128xf32>
    %get3A_3 = vector.shape_cast %get3A_2 : vector<1x1x128xf32> to vector<1x128xf32>
    %get3A_4 = arith.constant 0 : index
    %get3A_5 = arith.constant 0 : index
    %get3A_6 = vector.load %arg4[%get3A_4, %get3A_5] : memref<256x1024xf32, #tpu.memory_space<vmem>>, vector<128x1024xf32>
    %dot_general3A = arith.constant dense<0.000000e+00> : vector<1x1024xf32>
    %dot_general3A_7 = tpu.matmul %get3A_3, %get3A_6, %dot_general3A {dimension_numbers = #tpu.dot_dimension_numbers<[1], [0], [0], [1], [0, 0, 1, 1], [], []>, transpose_lhs_hint = false} : vector<1x128xf32>, vector<128x1024xf32>, vector<1x1024xf32> -> vector<1x1024xf32>
    %get3A_8 = arith.constant 0 : index
    %get3A_9 = arith.constant 0 : index
    %get3A_10 = vector.load %arg3[%get3A_8, %get3A_9] : memref<4096x128xf32, #tpu.memory_space<vmem>>, vector<4096x128xf32>
    %get3A_11 = arith.constant 128 : index
    %get3A_12 = arith.constant 0 : index
    %get3A_13 = vector.load %arg4[%get3A_11, %get3A_12] : memref<256x1024xf32, #tpu.memory_space<vmem>>, vector<128x1024xf32>
    %dot_general3A_14 = arith.constant dense<0.000000e+00> : vector<4096x1024xf32>
    %dot_general3A_15 = tpu.matmul %get3A_10, %get3A_13, %dot_general3A_14 {dimension_numbers = #tpu.dot_dimension_numbers<[1], [0], [0], [1], [0, 0, 1, 1], [], []>, transpose_lhs_hint = false} : vector<4096x128xf32>, vector<128x1024xf32>, vector<4096x1024xf32> -> vector<4096x1024xf32>
    %get3A_16 = arith.constant 0 : index
    %get3A_17 = arith.constant 0 : index
    %get3A_18 = vector.load %arg5[%get3A_16, %get3A_17] : memref<1x1024xf32, #tpu.memory_space<vmem>>, vector<1x1024xf32>
    %add3A = arith.addf %dot_general3A_7, %get3A_18 : vector<1x1024xf32>
    %add3A_19 = vector.broadcast %add3A : vector<1x1024xf32> to vector<4096x1024xf32>
    %add3A_20 = arith.addf %dot_general3A_15, %add3A_19 : vector<4096x1024xf32>
    %max3A = arith.constant 0.000000e+00 : f32
    %max3A_21 = vector.broadcast %max3A : f32 to vector<4096x1024xf32>
    %max3A_22 = arith.maximumf %add3A_20, %max3A_21 : vector<4096x1024xf32>
    %get3A_23 = arith.constant 0 : index
    %get3A_24 = arith.constant 0 : index
    %get3A_25 = vector.load %arg6[%get3A_23, %get3A_24] : memref<1024x512xf32, #tpu.memory_space<vmem>>, vector<1024x512xf32>
    %dot_general3A_26 = arith.constant dense<0.000000e+00> : vector<4096x512xf32>
    %dot_general3A_27 = tpu.matmul %max3A_22, %get3A_25, %dot_general3A_26 {dimension_numbers = #tpu.dot_dimension_numbers<[1], [0], [0], [1], [0, 0, 1, 1], [], []>, transpose_lhs_hint = false} : vector<4096x1024xf32>, vector<1024x512xf32>, vector<4096x512xf32> -> vector<4096x512xf32>
    %get3A_28 = arith.constant 0 : index
    %get3A_29 = arith.constant 0 : index
    %get3A_30 = vector.load %arg7[%get3A_28, %get3A_29] : memref<1x512xf32, #tpu.memory_space<vmem>>, vector<1x512xf32>
    %add3A_31 = vector.broadcast %get3A_30 : vector<1x512xf32> to vector<4096x512xf32>
    %add3A_32 = arith.addf %dot_general3A_27, %add3A_31 : vector<4096x512xf32>
    %max3A_33 = arith.constant 0.000000e+00 : f32
    %max3A_34 = vector.broadcast %max3A_33 : f32 to vector<4096x512xf32>
    %max3A_35 = arith.maximumf %add3A_32, %max3A_34 : vector<4096x512xf32>
    %get3A_36 = arith.constant 0 : index
    %get3A_37 = arith.constant 0 : index
    %get3A_38 = vector.load %arg8[%get3A_36, %get3A_37] : memref<512x256xf32, #tpu.memory_space<vmem>>, vector<512x256xf32>
    %dot_general3A_39 = arith.constant dense<0.000000e+00> : vector<4096x256xf32>
    %dot_general3A_40 = tpu.matmul %max3A_35, %get3A_38, %dot_general3A_39 {dimension_numbers = #tpu.dot_dimension_numbers<[1], [0], [0], [1], [0, 0, 1, 1], [], []>, transpose_lhs_hint = false} : vector<4096x512xf32>, vector<512x256xf32>, vector<4096x256xf32> -> vector<4096x256xf32>
    %get3A_41 = arith.constant 0 : index
    %get3A_42 = arith.constant 0 : index
    %get3A_43 = vector.load %arg9[%get3A_41, %get3A_42] : memref<1x256xf32, #tpu.memory_space<vmem>>, vector<1x256xf32>
    %add3A_44 = vector.broadcast %get3A_43 : vector<1x256xf32> to vector<4096x256xf32>
    %add3A_45 = arith.addf %dot_general3A_40, %add3A_44 : vector<4096x256xf32>
    %max3A_46 = arith.constant 0.000000e+00 : f32
    %max3A_47 = vector.broadcast %max3A_46 : f32 to vector<4096x256xf32>
    %max3A_48 = arith.maximumf %add3A_45, %max3A_47 : vector<4096x256xf32>
    %get3A_49 = arith.constant 0 : index
    %get3A_50 = arith.constant 0 : index
    %get3A_51 = vector.load %arg10[%get3A_49, %get3A_50] : memref<1x256xf32, #tpu.memory_space<vmem>>, vector<1x256xf32>
    %dot_general3A_52 = arith.constant dense<0.000000e+00> : vector<1x4096xf32>
    %dot_general3A_53 = tpu.matmul %get3A_51, %max3A_48, %dot_general3A_52 {dimension_numbers = #tpu.dot_dimension_numbers<[1], [1], [0], [0], [0, 0, 1, 0], [], []>, transpose_lhs_hint = false} : vector<1x256xf32>, vector<4096x256xf32>, vector<1x4096xf32> -> vector<1x4096xf32>
    %get3A_54 = arith.constant 0 : index
    %get3A_55 = arith.constant 0 : index
    %get3A_56 = vector.load %arg11[%get3A_54, %get3A_55] : memref<1x1xf32, #tpu.memory_space<vmem>>, vector<1x1xf32>
    %add3A_57 = vector.broadcast %get3A_56 : vector<1x1xf32> to vector<1x4096xf32>
    %add3A_58 = arith.addf %dot_general3A_53, %add3A_57 : vector<1x4096xf32>
    %swap3A = arith.constant 0 : index
    %swap3A_59 = arith.constant 0 : index
    %swap3A_60 = vector.load %arg12[%swap3A, %swap3A_59] : memref<1x4096xf32, #tpu.memory_space<vmem>>, vector<1x4096xf32>
    tpu.vector_store %arg12[%swap3A, %swap3A_59], %add3A_58 {strides = array<i32>} : memref<1x4096xf32, #tpu.memory_space<vmem>>, vector<1x4096xf32>,
    return
  }
  func.func @transform_0(%arg0: i32, %arg1: memref<1xi32, #tpu.memory_space<smem>>) -> (i32, i32, i32) {
    %get3A = arith.constant 0 : index
    %get3A_0 = memref.load %arg1[%get3A] : memref<1xi32, #tpu.memory_space<smem>>
    %c0_i32 = arith.constant 0 : i32
    %c0_i32_1 = arith.constant 0 : i32
    %c0_i32_2 = arith.constant 0 : i32
    return %get3A_0, %c0_i32, %c0_i32_1 : i32, i32, i32
  }
  func.func @transform_1(%arg0: i32, %arg1: memref<1xi32, #tpu.memory_space<smem>>) -> (i32, i32) {
    %c0_i32 = arith.constant 0 : i32
    %c0_i32_0 = arith.constant 0 : i32
    return %arg0, %c0_i32 : i32, i32
  }
  func.func @transform_2(%arg0: i32, %arg1: memref<1xi32, #tpu.memory_space<smem>>) -> (i32, i32) {
    %c0_i32 = arith.constant 0 : i32
    %c0_i32_0 = arith.constant 0 : i32
    %c0_i32_1 = arith.constant 0 : i32
    return %c0_i32, %c0_i32_0 : i32, i32
  }
  func.func @transform_3(%arg0: i32, %arg1: memref<1xi32, #tpu.memory_space<smem>>) -> (i32, i32) {
    %c0_i32 = arith.constant 0 : i32
    %c0_i32_0 = arith.constant 0 : i32
    %c0_i32_1 = arith.constant 0 : i32
    return %c0_i32, %c0_i32_0 : i32, i32
  }
  func.func @transform_4(%arg0: i32, %arg1: memref<1xi32, #tpu.memory_space<smem>>) -> (i32, i32) {
    %c0_i32 = arith.constant 0 : i32
    %c0_i32_0 = arith.constant 0 : i32
    %c0_i32_1 = arith.constant 0 : i32
    return %c0_i32, %c0_i32_0 : i32, i32
  }
  func.func @transform_5(%arg0: i32, %arg1: memref<1xi32, #tpu.memory_space<smem>>) -> (i32, i32) {
    %c0_i32 = arith.constant 0 : i32
    %c0_i32_0 = arith.constant 0 : i32
    %c0_i32_1 = arith.constant 0 : i32
    return %c0_i32, %c0_i32_0 : i32, i32
  }
  func.func @transform_6(%arg0: i32, %arg1: memref<1xi32, #tpu.memory_space<smem>>) -> (i32, i32) {
    %c0_i32 = arith.constant 0 : i32
    %c0_i32_0 = arith.constant 0 : i32
    %c0_i32_1 = arith.constant 0 : i32
    return %c0_i32, %c0_i32_0 : i32, i32
  }
  func.func @transform_7(%arg0: i32, %arg1: memref<1xi32, #tpu.memory_space<smem>>) -> (i32, i32) {
    %c0_i32 = arith.constant 0 : i32
    %c0_i32_0 = arith.constant 0 : i32
    %c0_i32_1 = arith.constant 0 : i32
    return %c0_i32, %c0_i32_0 : i32, i32
  }
  func.func @transform_8(%arg0: i32, %arg1: memref<1xi32, #tpu.memory_space<smem>>) -> (i32, i32) {
    %c0_i32 = arith.constant 0 : i32
    %c0_i32_0 = arith.constant 0 : i32
    %c0_i32_1 = arith.constant 0 : i32
    return %c0_i32, %c0_i32_0 : i32, i32
  }
  func.func @transform_9(%arg0: i32, %arg1: memref<1xi32, #tpu.memory_space<smem>>) -> (i32, i32) {
    %c0_i32 = arith.constant 0 : i32
    %c0_i32_0 = arith.constant 0 : i32
    %c0_i32_1 = arith.constant 0 : i32
    return %c0_i32, %c0_i32_0 : i32, i32
  }
  func.func @transform_10(%arg0: i32, %arg1: memref<1xi32, #tpu.memory_space<smem>>) -> (i32, i32) {
    %c0_i32 = arith.constant 0 : i32
    %c0_i32_0 = arith.constant 0 : i32
    return %c0_i32, %arg0 : i32, i32
  }
}

</mosaic_0001>

<sc_bundles>
// kernel: kernel.6.cloned.1.call-start
scs
__scs_entry_jumppad:
0x0: {  	(pc) =	sbr.rel $0x88, $3  }
0x1: {  	(tag) =	ssettag $0x0;
	lr =	simm.s32 $0x1  }
0x2: {  	[smem:$0x3F95] =	sst lr;
	_ =	strace $0xD0000000  }
0x3: {  	_ = 	snop  }
0x4: {  	_ = 	snop  }
0x5: {  	_ = 	snop  }
0x6: {  	_ = 	snop  }
0x7: {  	_ = 	snop  }
__scs_overlays_trampoline_lowered:
0x8: {  	[smem:$0x3FA4] =	sst s0  }
0x9: {  	[smem:$0x3FA5] =	sst s1  }
0xa: {  	[smem:$0x3FA6] =	sst s2  }
0xb: {  	[smem:$0x3FA7] =	sst s3  }
0xc: {  	[smem:$0x3FA8] =	sst s4  }
0xd: {  	[smem:$0x3FA9] =	sst s5  }
0xe: {  	[smem:$0x3FAA] =	sst s6  }
0xf: {  	[smem:$0x3FAB] =	sst s7  }
0x10: {  	[smem:$0x3FAC] =	sst s8  }
0x11: {  	[smem:$0x3FAD] =	sst s9;
	s0 =	simm.s32 @!p0 $0x0  }
0x12: {  	s1 =	sld [smem:$0x3F93];
	s0 =	simm.s32 @p0 $0x1  }
0x13: {  	[smem:$0x3FAE] =	sst s0;
	s0 =	simm.s32 @!p1 $0x0  }
0x14: {  	s2 =	sld [smem:$0x3F92];
	s0 =	simm.s32 @p1 $0x1  }
0x15: {  	[smem:$0x3FAF] =	sst s0;
	s0 =	simm.s32 @!p2 $0x0  }
0x16: {  	s3 =	sld [smem:$0x3FDB];
	s0 =	simm.s32 @p2 $0x1  }
0x17: {  	s4 =	simm.s32 $0x1BF5;
	[smem:$0x3FB1] =	sst s0  }
0x18: {  	s0 =	sld [smem:$0x3F94];
	_ =	swait.ge [sflag:s4], $0x0  }
0x19: {  	s7 =	sld [smem:$0x3F95]  }
0x1a: {  	s8 =	sadd.s32 $0xFFFFE003, lr  }
0x1b: {  	s9 =	sadd.s32 $0xFFFFFEF7, lr;
	s5 =	simm.s32 $0xFFFFFFFF;
	p2 =	slt.u32 s8, $0xFFFFF086  }
0x1c: {  	p1 =	slt.u32 s9, $0xF7A;
	s5 =	simm.s32 @!p2 $0x0  }
0x1d: {  	s5 =	simm.s32 @p1 $0x1;
	p0 =	seq.s32 s7, s2  }
0x1e: {  	s7 =	smul.u32 @!p0 $0xF7A, s2;
	p2 =	seq.s32 @!p0 s5, $0x0  }
0x1f: {  	s9 =	smul.u32 $0xF7A, s1;
	s8 =	simm.s32 @!p0 $0x1BF5;
	p2 =	por !p2, p0  }
0x20: {  	[sflag:s8] =	ssyncset.s32 @!p0 $0xFFFFF086;
	s6 =	sadd.s32 @!p0 s3, s7;
	s7 =	simm.s32 @!p0 $0x108  }
0x21: {  	s3 =	sadd.s32 s3, s9;
	s6 =	sadd.s32 @!p0 $0x88, s6;
	s7 =	simm.s32 @p2 $0x1082  }
0x22: {  	[simem:s7], [sflag:s8] =	dma.local @!p0 [hbm:s6], $0xF7A  }
0x23: {  	s9 =	sor.u32 $0xD0000000, s2;
	s6 =	simm.s32 $0x108;
	_ =	swait.ge @!p0 [sflag:s8], $0x0  }
0x24: {  	s3 =	sadd.s32 $0x88, s3;
	s6 =	simm.s32 @!p1 $0x1082;
	[sflag:s4] =	ssyncset.s32 $0xFFFFF086  }
0x25: {  	[simem:s6], [sflag:s4] =	dma.local [hbm:s3], $0xF7A  }
0x26: {  	[smem:$0x3F95] =	sst s1;
	(tag) =	ssettag s2;
	_ =	strace s9  }
0x27: {  	s1 =	sld [smem:$0x3FA5]  }
0x28: {  	s2 =	sld [smem:$0x3FA6]  }
0x29: {  	s4 =	sld [smem:$0x3FA8]  }
0x2a: {  	p0 =	seq.s32 s5, $0x0;
	s5 =	sld [smem:$0x3FA9]  }
0x2b: {  	s6 =	sld [smem:$0x3FAA]  }
0x2c: {  	s7 =	sld [smem:$0x3FAB]  }
0x2d: {  	s3 =	simm.s32 $0x108;
	s8 =	sld [smem:$0x3FAC]  }
0x2e: {  	s3 =	simm.s32 @!p0 $0x1082;
	s9 =	sld [smem:$0x3FAD]  }
0x2f: {  	lr =	sadd.s32 s0, s3;
	s0 =	sld [smem:$0x3FA4]  }
0x30: {  	s3 =	sld [smem:$0x3FA7]  }
0x31: {  	[smem:$0x3FB0] =	sst s10  }
0x32: {  	s10 =	sld [smem:$0x3FAE];
	_ =	sdelay $0x3  }
0x33: {  	p0 =	seq.s32 s10, $0x1;
	s10 =	sld [smem:$0x3FB0];
	_ =	sdelay $0x3  }
0x34: {  	[smem:$0x3FB0] =	sst s10  }
0x35: {  	s10 =	sld [smem:$0x3FAF];
	_ =	sdelay $0x3  }
0x36: {  	p1 =	seq.s32 s10, $0x1;
	s10 =	sld [smem:$0x3FB0];
	_ =	sdelay $0x3  }
0x37: {  	[smem:$0x3FB0] =	sst s10  }
0x38: {  	s10 =	sld [smem:$0x3FB1]  }
0x39: {  	_ = 	snop;
	(pc) =	sbr.ind lr, $3  }
0x3a: {  	_ = 	snop  }
0x3b: {  	_ = 	snop  }
0x3c: {  	p2 =	seq.s32 s10, $0x1;
	s10 =	sld [smem:$0x3FB0]  }
0x3d: {  	_ =	shalt  }
0x3e: {  	_ =	shalt  }
0x3f: {  	_ =	shalt  }
0x40: {  	_ =	shalt  }
0x41: {  	_ =	shalt  }
0x42: {  	_ =	shalt  }
0x43: {  	_ =	shalt  }
0x44: {  	_ =	shalt  }
0x45: {  	_ =	shalt  }
0x46: {  	_ =	shalt  }
0x47: {  	_ =	shalt  }
0x48: {  	_ =	shalt  }
0x49: {  	_ =	shalt  }
0x4a: {  	_ =	shalt  }
0x4b: {  	_ =	shalt  }
0x4c: {  	_ =	shalt  }
0x4d: {  	_ =	shalt  }
0x4e: {  	_ =	shalt  }
0x4f: {  	_ =	shalt  }
0x50: {  	_ =	shalt  }
0x51: {  	_ =	shalt  }
0x52: {  	_ =	shalt  }
0x53: {  	_ =	shalt  }
0x54: {  	_ =	shalt  }
0x55: {  	_ =	shalt  }
0x56: {  	_ =	shalt  }
0x57: {  	_ =	shalt  }
0x58: {  	_ =	shalt  }
0x59: {  	_ =	shalt  }
0x5a: {  	_ =	shalt  }
0x5b: {  	_ =	shalt  }
0x5c: {  	_ =	shalt  }
0x5d: {  	_ =	shalt  }
0x5e: {  	_ =	shalt  }
0x5f: {  	_ =	shalt  }
0x60: {  	_ =	shalt  }
0x61: {  	_ =	shalt  }
0x62: {  	_ =	shalt  }
0x63: {  	_ =	shalt  }
0x64: {  	_ =	shalt  }
0x65: {  	_ =	shalt  }
0x66: {  	_ =	shalt  }
0x67: {  	_ =	shalt  }
0x68: {  	_ =	shalt  }
0x69: {  	_ =	shalt  }
0x6a: {  	_ =	shalt  }
0x6b: {  	_ =	shalt  }
0x6c: {  	_ =	shalt  }
0x6d: {  	_ =	shalt  }
0x6e: {  	_ =	shalt  }
0x6f: {  	_ =	shalt  }
0x70: {  	_ =	shalt  }
0x71: {  	_ =	shalt  }
0x72: {  	_ =	shalt  }
0x73: {  	_ =	shalt  }
0x74: {  	_ =	shalt  }
0x75: {  	_ =	shalt  }
0x76: {  	_ =	shalt  }
0x77: {  	_ =	shalt  }
0x78: {  	_ =	shalt  }
0x79: {  	_ =	shalt  }
0x7a: {  	_ =	shalt  }
0x7b: {  	_ =	shalt  }
0x7c: {  	_ =	shalt  }
0x7d: {  	_ =	shalt  }
0x7e: {  	_ =	shalt  }
0x7f: {  	_ =	shalt  }
0x80: {  	_ =	shalt  }
0x81: {  	_ =	shalt  }
0x82: {  	_ =	shalt  }
0x83: {  	_ =	shalt  }
0x84: {  	_ =	shalt  }
0x85: {  	_ =	shalt  }
0x86: {  	_ =	shalt  }
0x87: {  	_ =	shalt  }
.Lfunc_end0:
.L_simem_size_0:
called_computation_lowered:
.L_overlay_start_0:
0x88: {  	s2 =	sld [smem:$0x3FD9]  }
0x89: {  	s3 =	sld [smem:$0x3FFE];
	_ =	sdelay $0x1  }
0x8a: {  	s1 =	srdreg.scid  }
0x8b: {  	s0 =	sand.u32 $0x1, s1  }
0x8c: {  	s17 =	sshll.u32 s0, $0xA;
	s2 =	sadd.s32 s3, s2  }
0x8d: {  	s2 =	sadd.s32 s2, s17  }
0x8e: {  	[smem:$0x3FBC] =	sst s2  }
0x8f: {  	_ = 	snop  }
0x90: {  	s18 =	sld [smem:$0x3FC8]  }
0x91: {  	s4 =	sld [smem:$0x3FC6];
	(tm) =	ssettm $0x1  }
0x92: {  	s19 =	sld [smem:$0x3FFB];
	_ =	sdelay $0x3  }
0x93: {  	_ =	strace s19  }
0x94: {  	s2 =	sld [smem:$0x3FFC];
	_ =	sdelay $0x3  }
0x95: {  	_ =	strace s2  }
0x96: {  	s2 =	sld [smem:$0x3FFD];
	_ =	sdelay $0x3  }
0x97: {  	_ =	strace s2  }
0x98: {  	_ =	strace $0x8FFFFFFF  }
0x99: {  	s20 =	sld [smem:$0x3FDB];
	_ =	sdelay $0x1  }
0x9a: {  	s5 =	simm.s32 $_scs_section_size  }
0x9b: {  	s6 =	simm.s32 $_size__tile_overlayer_lowered;
	s7 =	simm.s32 $_tile_overlayer_lowered  }
0x9c: {  	s8 =	simm.s32 $0x1BFF;
	s21 =	sshll.u32 s7, $0x1;
	s5 =	sadd.s32 s5, s20  }
0x9d: {  	s22 =	simm.s32 $0x0;
	s6 =	sshll.u32 s6, $0x1;
	s7 =	sadd.s32 s21, s5  }
0x9e: {  	[timem:s22], [sflag:s8] =	dma.local [hbm:s7], s6  }
0x9f: {  	_ =	swait.ge [sflag:s8], s6  }
0xa0: {  	s6 =	ssub.s32 $0x0, s6;
	[sflag:s8] =	ssyncset.done $0x0  }
0xa1: {  	[sflag:s8] =	ssyncadd.s32 s6;
	_ =	sdelay $0x1  }
0xa2: {  	s23 =	simm.s32 $0x1B8B  }
0xa3: {  	_ =	swait.ge [sflag:s23], $0x1  }
0xa4: {  	[sflag:s23] =	ssyncset.done $0x0  }
0xa5: {  	[sflag:s23] =	ssyncadd.s32 $0xFFFFFFFF  }
0xa6: {  	s6 =	sld [smem:$0x0]  }
0xa7: {  	s7 =	sand.u32 $0xFFFFFFFE, s1  }
0xa8: {  	p0 =	sne.s32 s1, s7  }
0xa9: {  	s7 =	sshll.u32 @p0 s7, $0xE  }
0xaa: {  	s7 =	sadd.s32 @p0 $0x11B8D, s7;
	s8 =	sshll.u32 @p0 s6, $0x11  }
0xab: {  	s7 =	sor.u32 @p0 s8, s7  }
0xac: {  	[sflag:s7] =	ssyncadd.remote.s32 @p0 $0x1;
	_ =	sdelay $0x1  }
0xad: {  	s7 =	simm.s32 @p0 $0x1B8D  }
0xae: {  	_ =	swait.eq @p0 [sflag:s7], $0x1  }
0xaf: {  	[sflag:s7] =	ssyncadd.s32 @p0 $0xFFFFFFFF  }
0xb0: {  	s8 =	sshll.u32 @!p0 s1, $0xE  }
0xb1: {  	s8 =	sor.u32 @!p0 $0x4000, s8;
	s7 =	simm.s32 @!p0 $0x1B8D  }
0xb2: {  	s6 =	sshll.u32 @!p0 s6, $0x11;
	s8 =	sadd.s32 @!p0 $0x11B8D, s8;
	_ =	swait.eq @!p0 [sflag:s7], $0x1  }
0xb3: {  	s6 =	sor.u32 @!p0 s6, s8;
	[sflag:s7] =	ssyncadd.s32 @!p0 $0xFFFFFFFF  }
0xb4: {  	s25 =	simm.s32 $0x1B8E;
	s24 =	sld [smem:$0x3FFE];
	[sflag:s6] =	ssyncadd.remote.s32 @!p0 $0x1  }
0xb5: {  	s26 =	simm.s32 $execute0_lowered;
	[smem:$0x3FD2] =	sst s25  }
0xb6: {  	s7 =	sshll.u32 s26, $0x1;
	_ =	strace $0x80000049;
	[dreg:$0x1] =	wrdreg $0xFFFFFFFF  }
0xb7: {  	s28 =	simm.s32 $_size_execute0_lowered;
	s5 =	sadd.s32 s5, s7;
	[dreg:$0x0] =	wrdreg $0x0  }
0xb8: {  	s7 =	sshll.u32 s28, $0x1;
	[dreg:$0x2] =	wrdreg s5  }
0xb9: {  	[dreg:$0x3] =	wrdreg s7  }
0xba: {  	[dreg:$0x4] =	wrdreg $0xC0  }
0xbb: {  	_ =	task [dreg:s22], $0x5FFFF  }
0xbc: {  	[dreg:$0x1] =	wrdreg $0xFFFFFFFF  }
0xbd: {  	[dreg:$0x0] =	wrdreg $0x60  }
0xbe: {  	[dreg:$0x2] =	wrdreg s4  }
0xbf: {  	[dreg:$0x3] =	wrdreg s18  }
0xc0: {  	[dreg:$0x4] =	wrdreg s24  }
0xc1: {  	[dreg:$0x5] =	wrdreg $0x9  }
0xc2: {  	_ =	task.clear_ibuf [dreg:s22], $0x6FFFF;
	_ =	strace $0x90000049  }
0xc3: {  	s29 =	simm.s32 $0x9;
	_ =	strace $0x8000004B  }
0xc4: {  	_ =	swait.ge [sflag:s29], $0x1  }
0xc5: {  	[sflag:s29] =	ssyncadd.s32 $0xFFFFFFFF  }
0xc6: {  	_ =	strace $0x9000004B  }
0xc7: {  	_ =	sfence  }
0xc8: {  	s30 =	sld [smem:$0x0];
	_ =	sdelay $0x2  }
0xc9: {  	s31 =	sshll.u32 s1, $0xD;
	s1 =	sshrl.u32 s1, $0x2  }
0xca: {  	s4 =	sand.u32 $0x4000, s31;
	s1 =	sadd.s32 s1, s30  }
0xcb: {  	s0 =	sor.u32 s4, s0;
	s1 =	sshll.u32 s1, $0x11  }
0xcc: {  	s0 =	sor.u32 s1, s0  }
0xcd: {  	s0 =	sadd.s32 $0x8F2B, s0  }
0xce: {  	[sflag:s0] =	ssyncadd.remote.s32 $0x1  }
0xcf: {  	_ =	sfence.sel $0xFFFF  }
0xd0: {  	[dreg:$0x0] =	wrdreg $0xFFFFFFFF;
	(pc) =	sbr.abs _section_cstart, $3  }
0xd1: {  	[dreg:$0x1] =	wrdreg $0xFFFFFFFF  }
0xd2: {  	_ =	task.clear_ibuf [dreg:s22], $0x2FFFF;
	_ =	strace $0x9FFFFFFF  }
0xd3: {  	(tm) =	ssettm $0x7FFFFFFF  }
tec
execute0_lowered:
.L_overlay_start_1:
0x0: {  	(tag) =	ssettag $0x1  }
0x1: {  	s2 =	rddreg [dreg:$0x0]  }
0x2: {  	s4 =	rddreg [dreg:$0x1]  }
0x3: {  	s1 =	srdreg.scid;
	s0 =	stileid.u32  }
0x4: {  	s10 =	rddreg [dreg:$0x2];
	s11 =	sand.u32 $0x1, s1;
	s5 =	sshll.u32 s0, $0x1  }
0x5: {  	s3 =	simm.s32 $0x0;
	s1 =	rddreg [dreg:$0x3];
	s12 =	sor.u32 s11, s5  }
0x6: {  	[smem:$0x7FF] =	sst s3;
	s5 =	sshll.u32 s12, $0x5  }
0x7: {  	_ =	strace $0x8000004A;
	s4 =	sadd.s32 s4, s5;
	s5 =	simm.s32 $0x3  }
0x8: {  	[tilespmem:s3], [sflag:$0x3] =	stream.linear.gather [hbm4b:s4+s3], $0x100, $0x38;
	[tilespmem:$0x8100] =	vst v63  }
0x9: {  	_ =	swait.ge [sflag:s5], $0x100  }
0xa: {  	[sflag:s5] =	ssyncset.done $0x0  }
0xb: {  	s6 =	simm.s32 $0x80;
	s7 =	simm.s32 $0x100;
	[sflag:s5] =	ssyncadd.s32 $0xFFFFFF00  }
0xc: {  	[tilespmem:s7], [sflag:$0x1] =	stream.indirect.gather [hbm4b:s2+s6], $0x80, s3, s6, $0xb8;
	[tilespmem:$0x8100] =	vst v63  }
0xd: {  	s8 =	simm.s32 $0x4100;
	s9 =	simm.s32 $0x1  }
0xe: {  	[tilespmem:s8], [sflag:$0x1] =	stream.indirect.gather [hbm4b:s2+s6], $0x80, s6, s6, $0xb8;
	[tilespmem:$0x8100] =	vst v63  }
0xf: {  	s12 =	sshll.u32 s12, $0xC;
	_ =	swait.ge [sflag:s9], $0x4000  }
0x10: {  	s13 =	ssub.s32 $0x2, s11;
	s12 =	sadd.s32 s12, s10;
	[sflag:s9] =	ssyncset.done $0x0  }
0x11: {  	s14 =	sshrl.u32 s13, $0x1;
	s10 =	sadd.s32 $0x21A00, s12;
	[sflag:s9] =	ssyncadd.s32 $0xFFFFC000  }
0x12: {  	[hbm4b:s10+s3] =	stream.linear.scatter [tilespmem:s7], [sflag:$0x2], $0x4000, $0x38;
	[tilespmem:$0x8100] =	vst v63  }
0x13: {  	s13 =	ssub.s32 s13, s14;
	_ =	swait.ge [sflag:s9], $0x4000  }
0x14: {  	s11 =	simm.s32 $0x2;
	s13 =	smax.u32 s13, $0x1;
	[sflag:s9] =	ssyncset.done $0x0  }
0x15: {  	s12 =	sadd.s32 $0x22200, s12;
	p0 =	sne.s32 s13, $0x1;
	[sflag:s9] =	ssyncadd.s32 $0xFFFFC000  }
0x16: {  	[hbm4b:s12+s3] =	stream.linear.scatter [tilespmem:s8], [sflag:$0x2], $0x4000, $0x38;
	[tilespmem:$0x8100] =	vst v63  }
.Ltmp0:
0x17: {  	_ =	swait.ge [sflag:s11], $0x4000;
	(pc) =	sbr.rel @!p0 .LBB2_2-.Ltmp0, $4  }
0x18: {  	[sflag:s11] =	ssyncset.done $0x0  }
0x19: {  	[sflag:s11] =	ssyncadd.s32 $0xFFFFC000  }
0x1a: {  	_ =	swait.ge [sflag:s11], $0x4000  }
0x1b: {  	s13 =	sadd.s32 $0xFFFFFFFF, s13;
	[sflag:s11] =	ssyncset.done $0x0  }
.LBB2_1:
0x1c: {  	p0 =	sne.s32 s13, $0x1;
	s13 =	sadd.s32 $0xFFFFFFFF, s13;
	[sflag:s11] =	ssyncadd.s32 $0xFFFFC000  }
0x1d: {  	[tilespmem:s3], [sflag:$0x3] =	stream.linear.gather [hbm4b:s4+s3], $0x100, $0x38;
	[tilespmem:$0x8100] =	vst v63  }
0x1e: {  	_ =	swait.ge [sflag:s5], $0x100  }
0x1f: {  	[sflag:s5] =	ssyncset.done $0x0  }
0x20: {  	[sflag:s5] =	ssyncadd.s32 $0xFFFFFF00  }
0x21: {  	[tilespmem:s7], [sflag:$0x1] =	stream.indirect.gather [hbm4b:s2+s6], $0x80, s3, s6, $0xb8;
	[tilespmem:$0x8100] =	vst v63  }
0x22: {  	_ = 	snop  }
0x23: {  	[tilespmem:s8], [sflag:$0x1] =	stream.indirect.gather [hbm4b:s2+s6], $0x80, s6, s6, $0xb8;
	[tilespmem:$0x8100] =	vst v63  }
0x24: {  	_ =	swait.ge [sflag:s9], $0x4000  }
0x25: {  	[sflag:s9] =	ssyncset.done $0x0  }
0x26: {  	[sflag:s9] =	ssyncadd.s32 $0xFFFFC000  }
0x27: {  	[hbm4b:s10+s3] =	stream.linear.scatter [tilespmem:s7], [sflag:$0x2], $0x4000, $0x38;
	[tilespmem:$0x8100] =	vst v63  }
0x28: {  	_ =	swait.ge [sflag:s9], $0x4000  }
0x29: {  	[sflag:s9] =	ssyncset.done $0x0  }
0x2a: {  	[sflag:s9] =	ssyncadd.s32 $0xFFFFC000  }
0x2b: {  	[hbm4b:s12+s3] =	stream.linear.scatter [tilespmem:s8], [sflag:$0x2], $0x4000, $0x38;
	[tilespmem:$0x8100] =	vst v63  }
.Ltmp1:
0x2c: {  	_ =	swait.ge [sflag:s11], $0x4000;
	(pc) =	sbr.rel @p0 .LBB2_1-.Ltmp1, $4  }
0x2d: {  	[sflag:s11] =	ssyncset.done $0x0  }
0x2e: {  	[sflag:s11] =	ssyncadd.s32 $0xFFFFC000  }
0x2f: {  	_ =	swait.ge [sflag:s11], $0x4000  }
0x30: {  	[sflag:s11] =	ssyncset.done $0x0  }
.LBB2_2:
0x31: {  	[sflag:s11] =	ssyncadd.s32 $0xFFFFC000  }
0x32: {  	_ =	sfence.sel $0x180000  }
0x33: {  	[bflag:$0x0] =	sbarrier.arrive $0xFFFF  }
0x34: {  	p0 =	sne.s32 s0, $0x0;
	_ =	strace $0x9000004A  }
0x35: {  	s0 =	sadd.s32 @!p0 $0x100000, s1;
	[bflag:$0x2] =	sbarrier.arrive $0xFFFF  }
0x36: {  	[sflag:s0] =	ssyncadd.tile.s32 @!p0 $0x1;
	_ =	shalt  }
.Lfunc_end2:
_tile_overlayer_lowered:
.L_overlay_start_2:
0x37: {  	(tag) =	ssettag $0x2  }
0x38: {  	s0 =	rddreg [dreg:$0x0];
	s2 =	stileid.u32  }
0x39: {  	s1 =	rddreg [dreg:$0x1];
	p0 =	sne.s32 s2, $0x0  }
0x3a: {  	s3 =	rddreg [dreg:$0x2];
	[bflag:$0x3] =	sbarrier.arrive $0xFFFF;
	s2 =	simm.s32 @!p0 $0x1C03  }
0x3b: {  	[timem:s3], [sflag:s2] =	dma.local @!p0 [hbm:s0], s1  }
0x3c: {  	s0 =	simm.s32 @!p0 $0x3  }
0x3d: {  	_ =	swait.ge @!p0 [sflag:s0], s1  }
0x3e: {  	s1 =	ssub.s32 @!p0 $0x0, s1;
	[sflag:s0] =	ssyncset.done @!p0 $0x0  }
0x3f: {  	[sflag:s0] =	ssyncadd.s32 @!p0 s1  }
0x40: {  	[bflag:$0x3] =	sbarrier.arrive $0xFFFF  }
0x41: {  	_ =	shalt  }

// kernel: kernel.9.cloned.1.call-start
scs
__scs_entry_jumppad:
0x0: {  	(pc) =	sbr.rel $0x88, $3  }
0x1: {  	(tag) =	ssettag $0x0;
	lr =	simm.s32 $0x1  }
0x2: {  	[smem:$0x3F95] =	sst lr;
	_ =	strace $0xD0000000  }
0x3: {  	_ = 	snop  }
0x4: {  	_ = 	snop  }
0x5: {  	_ = 	snop  }
0x6: {  	_ = 	snop  }
0x7: {  	_ = 	snop  }
__scs_overlays_trampoline_lowered:
0x8: {  	[smem:$0x3FA4] =	sst s0  }
0x9: {  	[smem:$0x3FA5] =	sst s1  }
0xa: {  	[smem:$0x3FA6] =	sst s2  }
0xb: {  	[smem:$0x3FA7] =	sst s3  }
0xc: {  	[smem:$0x3FA8] =	sst s4  }
0xd: {  	[smem:$0x3FA9] =	sst s5  }
0xe: {  	[smem:$0x3FAA] =	sst s6  }
0xf: {  	[smem:$0x3FAB] =	sst s7  }
0x10: {  	[smem:$0x3FAC] =	sst s8  }
0x11: {  	[smem:$0x3FAD] =	sst s9;
	s0 =	simm.s32 @!p0 $0x0  }
0x12: {  	s1 =	sld [smem:$0x3F93];
	s0 =	simm.s32 @p0 $0x1  }
0x13: {  	[smem:$0x3FAE] =	sst s0;
	s0 =	simm.s32 @!p1 $0x0  }
0x14: {  	s2 =	sld [smem:$0x3F92];
	s0 =	simm.s32 @p1 $0x1  }
0x15: {  	[smem:$0x3FAF] =	sst s0;
	s0 =	simm.s32 @!p2 $0x0  }
0x16: {  	s3 =	sld [smem:$0x3FDB];
	s0 =	simm.s32 @p2 $0x1  }
0x17: {  	s4 =	simm.s32 $0x1BF5;
	[smem:$0x3FB1] =	sst s0  }
0x18: {  	s0 =	sld [smem:$0x3F94];
	_ =	swait.ge [sflag:s4], $0x0  }
0x19: {  	s7 =	sld [smem:$0x3F95]  }
0x1a: {  	s8 =	sadd.s32 $0xFFFFE003, lr  }
0x1b: {  	s9 =	sadd.s32 $0xFFFFFEF7, lr;
	s5 =	simm.s32 $0xFFFFFFFF;
	p2 =	slt.u32 s8, $0xFFFFF086  }
0x1c: {  	p1 =	slt.u32 s9, $0xF7A;
	s5 =	simm.s32 @!p2 $0x0  }
0x1d: {  	s5 =	simm.s32 @p1 $0x1;
	p0 =	seq.s32 s7, s2  }
0x1e: {  	s7 =	smul.u32 @!p0 $0xF7A, s2;
	p2 =	seq.s32 @!p0 s5, $0x0  }
0x1f: {  	s9 =	smul.u32 $0xF7A, s1;
	s8 =	simm.s32 @!p0 $0x1BF5;
	p2 =	por !p2, p0  }
0x20: {  	[sflag:s8] =	ssyncset.s32 @!p0 $0xFFFFF086;
	s6 =	sadd.s32 @!p0 s3, s7;
	s7 =	simm.s32 @!p0 $0x108  }
0x21: {  	s3 =	sadd.s32 s3, s9;
	s6 =	sadd.s32 @!p0 $0x88, s6;
	s7 =	simm.s32 @p2 $0x1082  }
0x22: {  	[simem:s7], [sflag:s8] =	dma.local @!p0 [hbm:s6], $0xF7A  }
0x23: {  	s9 =	sor.u32 $0xD0000000, s2;
	s6 =	simm.s32 $0x108;
	_ =	swait.ge @!p0 [sflag:s8], $0x0  }
0x24: {  	s3 =	sadd.s32 $0x88, s3;
	s6 =	simm.s32 @!p1 $0x1082;
	[sflag:s4] =	ssyncset.s32 $0xFFFFF086  }
0x25: {  	[simem:s6], [sflag:s4] =	dma.local [hbm:s3], $0xF7A  }
0x26: {  	[smem:$0x3F95] =	sst s1;
	(tag) =	ssettag s2;
	_ =	strace s9  }
0x27: {  	s1 =	sld [smem:$0x3FA5]  }
0x28: {  	s2 =	sld [smem:$0x3FA6]  }
0x29: {  	s4 =	sld [smem:$0x3FA8]  }
0x2a: {  	p0 =	seq.s32 s5, $0x0;
	s5 =	sld [smem:$0x3FA9]  }
0x2b: {  	s6 =	sld [smem:$0x3FAA]  }
0x2c: {  	s7 =	sld [smem:$0x3FAB]  }
0x2d: {  	s3 =	simm.s32 $0x108;
	s8 =	sld [smem:$0x3FAC]  }
0x2e: {  	s3 =	simm.s32 @!p0 $0x1082;
	s9 =	sld [smem:$0x3FAD]  }
0x2f: {  	lr =	sadd.s32 s0, s3;
	s0 =	sld [smem:$0x3FA4]  }
0x30: {  	s3 =	sld [smem:$0x3FA7]  }
0x31: {  	[smem:$0x3FB0] =	sst s10  }
0x32: {  	s10 =	sld [smem:$0x3FAE];
	_ =	sdelay $0x3  }
0x33: {  	p0 =	seq.s32 s10, $0x1;
	s10 =	sld [smem:$0x3FB0];
	_ =	sdelay $0x3  }
0x34: {  	[smem:$0x3FB0] =	sst s10  }
0x35: {  	s10 =	sld [smem:$0x3FAF];
	_ =	sdelay $0x3  }
0x36: {  	p1 =	seq.s32 s10, $0x1;
	s10 =	sld [smem:$0x3FB0];
	_ =	sdelay $0x3  }
0x37: {  	[smem:$0x3FB0] =	sst s10  }
0x38: {  	s10 =	sld [smem:$0x3FB1]  }
0x39: {  	_ = 	snop;
	(pc) =	sbr.ind lr, $3  }
0x3a: {  	_ = 	snop  }
0x3b: {  	_ = 	snop  }
0x3c: {  	p2 =	seq.s32 s10, $0x1;
	s10 =	sld [smem:$0x3FB0]  }
0x3d: {  	_ =	shalt  }
0x3e: {  	_ =	shalt  }
0x3f: {  	_ =	shalt  }
0x40: {  	_ =	shalt  }
0x41: {  	_ =	shalt  }
0x42: {  	_ =	shalt  }
0x43: {  	_ =	shalt  }
0x44: {  	_ =	shalt  }
0x45: {  	_ =	shalt  }
0x46: {  	_ =	shalt  }
0x47: {  	_ =	shalt  }
0x48: {  	_ =	shalt  }
0x49: {  	_ =	shalt  }
0x4a: {  	_ =	shalt  }
0x4b: {  	_ =	shalt  }
0x4c: {  	_ =	shalt  }
0x4d: {  	_ =	shalt  }
0x4e: {  	_ =	shalt  }
0x4f: {  	_ =	shalt  }
0x50: {  	_ =	shalt  }
0x51: {  	_ =	shalt  }
0x52: {  	_ =	shalt  }
0x53: {  	_ =	shalt  }
0x54: {  	_ =	shalt  }
0x55: {  	_ =	shalt  }
0x56: {  	_ =	shalt  }
0x57: {  	_ =	shalt  }
0x58: {  	_ =	shalt  }
0x59: {  	_ =	shalt  }
0x5a: {  	_ =	shalt  }
0x5b: {  	_ =	shalt  }
0x5c: {  	_ =	shalt  }
0x5d: {  	_ =	shalt  }
0x5e: {  	_ =	shalt  }
0x5f: {  	_ =	shalt  }
0x60: {  	_ =	shalt  }
0x61: {  	_ =	shalt  }
0x62: {  	_ =	shalt  }
0x63: {  	_ =	shalt  }
0x64: {  	_ =	shalt  }
0x65: {  	_ =	shalt  }
0x66: {  	_ =	shalt  }
0x67: {  	_ =	shalt  }
0x68: {  	_ =	shalt  }
0x69: {  	_ =	shalt  }
0x6a: {  	_ =	shalt  }
0x6b: {  	_ =	shalt  }
0x6c: {  	_ =	shalt  }
0x6d: {  	_ =	shalt  }
0x6e: {  	_ =	shalt  }
0x6f: {  	_ =	shalt  }
0x70: {  	_ =	shalt  }
0x71: {  	_ =	shalt  }
0x72: {  	_ =	shalt  }
0x73: {  	_ =	shalt  }
0x74: {  	_ =	shalt  }
0x75: {  	_ =	shalt  }
0x76: {  	_ =	shalt  }
0x77: {  	_ =	shalt  }
0x78: {  	_ =	shalt  }
0x79: {  	_ =	shalt  }
0x7a: {  	_ =	shalt  }
0x7b: {  	_ =	shalt  }
0x7c: {  	_ =	shalt  }
0x7d: {  	_ =	shalt  }
0x7e: {  	_ =	shalt  }
0x7f: {  	_ =	shalt  }
0x80: {  	_ =	shalt  }
0x81: {  	_ =	shalt  }
0x82: {  	_ =	shalt  }
0x83: {  	_ =	shalt  }
0x84: {  	_ =	shalt  }
0x85: {  	_ =	shalt  }
0x86: {  	_ =	shalt  }
0x87: {  	_ =	shalt  }
.Lfunc_end0:
.L_simem_size_0:
called_computation.1_lowered:
.L_overlay_start_0:
0x88: {  	s2 =	sld [smem:$0x3FD9]  }
0x89: {  	s3 =	sld [smem:$0x3FFE];
	_ =	sdelay $0x1  }
0x8a: {  	s1 =	srdreg.scid  }
0x8b: {  	s0 =	sand.u32 $0x1, s1  }
0x8c: {  	s17 =	sshll.u32 s0, $0xA;
	s2 =	sadd.s32 s3, s2  }
0x8d: {  	s2 =	sadd.s32 s2, s17  }
0x8e: {  	[smem:$0x3FBC] =	sst s2  }
0x8f: {  	_ = 	snop  }
0x90: {  	s2 =	sld [smem:$0x3FC8]  }
0x91: {  	s18 =	sld [smem:$0x3FC6];
	(tm) =	ssettm $0x1  }
0x92: {  	s4 =	sld [smem:$0x3FFB];
	_ =	sdelay $0x3  }
0x93: {  	_ =	strace s4  }
0x94: {  	s4 =	sld [smem:$0x3FFC];
	_ =	sdelay $0x3  }
0x95: {  	_ =	strace s4  }
0x96: {  	s4 =	sld [smem:$0x3FFD];
	_ =	sdelay $0x3  }
0x97: {  	_ =	strace s4  }
0x98: {  	_ =	strace $0x8FFFFFFF  }
0x99: {  	s19 =	sld [smem:$0x3FDB];
	_ =	sdelay $0x1  }
0x9a: {  	s5 =	simm.s32 $_scs_section_size  }
0x9b: {  	s6 =	simm.s32 $_size__tile_overlayer_lowered;
	s7 =	simm.s32 $_tile_overlayer_lowered  }
0x9c: {  	s22 =	simm.s32 $0x1BFF;
	s21 =	sshll.u32 s7, $0x1;
	s4 =	sadd.s32 s5, s19  }
0x9d: {  	s8 =	simm.s32 $0x0;
	s20 =	sshll.u32 s6, $0x1;
	s6 =	sadd.s32 s21, s4  }
0x9e: {  	[timem:s8], [sflag:s22] =	dma.local [hbm:s6], s20  }
0x9f: {  	_ =	swait.ge [sflag:s22], s20  }
0xa0: {  	s5 =	ssub.s32 $0x0, s20;
	[sflag:s22] =	ssyncset.done $0x0  }
0xa1: {  	[sflag:s22] =	ssyncadd.s32 s5;
	_ =	sdelay $0x1  }
0xa2: {  	s23 =	simm.s32 $0x1B8B  }
0xa3: {  	_ =	swait.ge [sflag:s23], $0x1  }
0xa4: {  	[sflag:s23] =	ssyncset.done $0x0  }
0xa5: {  	s25 =	simm.s32 $0x1B8E;
	s24 =	sld [smem:$0x3FFE];
	[sflag:s23] =	ssyncadd.s32 $0xFFFFFFFF  }
0xa6: {  	s26 =	simm.s32 $execute0_lowered;
	[smem:$0x3FD2] =	sst s25  }
0xa7: {  	s6 =	sshll.u32 s26, $0x1;
	_ =	strace $0x80000046;
	[dreg:$0x1] =	wrdreg $0xFFFFFFFF  }
0xa8: {  	s28 =	simm.s32 $_size_execute0_lowered;
	s4 =	sadd.s32 s4, s6;
	[dreg:$0x0] =	wrdreg $0x0  }
0xa9: {  	s6 =	sshll.u32 s28, $0x1;
	[dreg:$0x2] =	wrdreg s4  }
0xaa: {  	[dreg:$0x3] =	wrdreg s6  }
0xab: {  	[dreg:$0x4] =	wrdreg $0xC0  }
0xac: {  	_ =	task [dreg:s8], $0x5FFFF  }
0xad: {  	[dreg:$0x1] =	wrdreg $0xFFFFFFFF  }
0xae: {  	[dreg:$0x0] =	wrdreg $0x60  }
0xaf: {  	[dreg:$0x2] =	wrdreg s18  }
0xb0: {  	[dreg:$0x3] =	wrdreg s2  }
0xb1: {  	[dreg:$0x4] =	wrdreg s24  }
0xb2: {  	[dreg:$0x5] =	wrdreg $0xA  }
0xb3: {  	_ =	task.clear_ibuf [dreg:s8], $0x6FFFF;
	_ =	strace $0x90000046  }
0xb4: {  	s29 =	simm.s32 $0xA;
	_ =	strace $0x80000048  }
0xb5: {  	_ =	swait.ge [sflag:s29], $0x1  }
0xb6: {  	[sflag:s29] =	ssyncadd.s32 $0xFFFFFFFF  }
0xb7: {  	_ =	strace $0x90000048  }
0xb8: {  	_ =	sfence  }
0xb9: {  	s30 =	sld [smem:$0x0];
	_ =	sdelay $0x2  }
0xba: {  	s31 =	sshll.u32 s1, $0xD;
	s1 =	sshrl.u32 s1, $0x2  }
0xbb: {  	s3 =	sand.u32 $0x4000, s31;
	s1 =	sadd.s32 s1, s30  }
0xbc: {  	s0 =	sor.u32 s3, s0;
	s1 =	sshll.u32 s1, $0x11  }
0xbd: {  	s0 =	sor.u32 s1, s0  }
0xbe: {  	s0 =	sadd.s32 $0x8F2B, s0  }
0xbf: {  	[sflag:s0] =	ssyncadd.remote.s32 $0x1  }
0xc0: {  	_ =	sfence.sel $0xFFFF  }
0xc1: {  	[dreg:$0x0] =	wrdreg $0xFFFFFFFF;
	(pc) =	sbr.abs _section_cstart, $3  }
0xc2: {  	[dreg:$0x1] =	wrdreg $0xFFFFFFFF  }
0xc3: {  	_ =	task.clear_ibuf [dreg:s8], $0x2FFFF;
	_ =	strace $0x9FFFFFFF  }
0xc4: {  	(tm) =	ssettm $0x7FFFFFFF  }
0xc5: {  	_ =	shalt  }
tec
execute0_lowered:
.L_overlay_start_1:
0x0: {  	(tag) =	ssettag $0x1  }
0x1: {  	s1 =	rddreg [dreg:$0x0]  }
0x2: {  	s2 =	srdreg.scid;
	s0 =	stileid.u32  }
0x3: {  	s4 =	rddreg [dreg:$0x1];
	s11 =	sand.u32 $0x1, s2;
	s31 =	sshll.u32 s0, $0x1  }
0x4: {  	s10 =	rddreg [dreg:$0x2];
	s12 =	sor.u32 s11, s31  }
0x5: {  	s3 =	simm.s32 $0x0;
	s2 =	rddreg [dreg:$0x3];
	s5 =	sshll.u32 s12, $0x5  }
0x6: {  	[smem:$0x7FF] =	sst s3;
	s4 =	sadd.s32 s5, s4  }
0x7: {  	_ =	strace $0x80000047;
	s5 =	simm.s32 $0x3;
	s4 =	sadd.s32 $0x400, s4  }
0x8: {  	[tilespmem:s3], [sflag:$0x3] =	stream.linear.gather [hbm4b:s4+s3], $0x100, $0x38;
	[tilespmem:$0x8100] =	vst v63  }
0x9: {  	_ =	swait.ge [sflag:s5], $0x100  }
0xa: {  	[sflag:s5] =	ssyncset.done $0x0  }
0xb: {  	s6 =	simm.s32 $0x80;
	s7 =	simm.s32 $0x100;
	[sflag:s5] =	ssyncadd.s32 $0xFFFFFF00  }
0xc: {  	[tilespmem:s7], [sflag:$0x1] =	stream.indirect.gather [hbm4b:s1+s6], $0x80, s3, s6, $0xb8;
	[tilespmem:$0x8100] =	vst v63  }
0xd: {  	s8 =	simm.s32 $0x4100;
	s9 =	simm.s32 $0x1  }
0xe: {  	[tilespmem:s8], [sflag:$0x1] =	stream.indirect.gather [hbm4b:s1+s6], $0x80, s6, s6, $0xb8;
	[tilespmem:$0x8100] =	vst v63  }
0xf: {  	s12 =	sshll.u32 s12, $0xC;
	_ =	swait.ge [sflag:s9], $0x4000  }
0x10: {  	s13 =	ssub.s32 $0x2, s11;
	s12 =	sadd.s32 s12, s10;
	[sflag:s9] =	ssyncset.done $0x0  }
0x11: {  	s14 =	sshrl.u32 s13, $0x1;
	s10 =	sadd.s32 $0x1A00, s12;
	[sflag:s9] =	ssyncadd.s32 $0xFFFFC000  }
0x12: {  	[hbm4b:s10+s3] =	stream.linear.scatter [tilespmem:s7], [sflag:$0x2], $0x4000, $0x38;
	[tilespmem:$0x8100] =	vst v63  }
0x13: {  	s13 =	ssub.s32 s13, s14;
	_ =	swait.ge [sflag:s9], $0x4000  }
0x14: {  	s11 =	simm.s32 $0x2;
	s13 =	smax.u32 s13, $0x1;
	[sflag:s9] =	ssyncset.done $0x0  }
0x15: {  	s12 =	sadd.s32 $0x2200, s12;
	p0 =	sne.s32 s13, $0x1;
	[sflag:s9] =	ssyncadd.s32 $0xFFFFC000  }
0x16: {  	[hbm4b:s12+s3] =	stream.linear.scatter [tilespmem:s8], [sflag:$0x2], $0x4000, $0x38;
	[tilespmem:$0x8100] =	vst v63  }
.Ltmp0:
0x17: {  	_ =	swait.ge [sflag:s11], $0x4000;
	(pc) =	sbr.rel @!p0 .LBB2_2-.Ltmp0, $4  }
0x18: {  	[sflag:s11] =	ssyncset.done $0x0  }
0x19: {  	[sflag:s11] =	ssyncadd.s32 $0xFFFFC000  }
0x1a: {  	_ =	swait.ge [sflag:s11], $0x4000  }
0x1b: {  	s13 =	sadd.s32 $0xFFFFFFFF, s13;
	[sflag:s11] =	ssyncset.done $0x0  }
.LBB2_1:
0x1c: {  	p0 =	sne.s32 s13, $0x1;
	s13 =	sadd.s32 $0xFFFFFFFF, s13;
	[sflag:s11] =	ssyncadd.s32 $0xFFFFC000  }
0x1d: {  	[tilespmem:s3], [sflag:$0x3] =	stream.linear.gather [hbm4b:s4+s3], $0x100, $0x38;
	[tilespmem:$0x8100] =	vst v63  }
0x1e: {  	_ =	swait.ge [sflag:s5], $0x100  }
0x1f: {  	[sflag:s5] =	ssyncset.done $0x0  }
0x20: {  	[sflag:s5] =	ssyncadd.s32 $0xFFFFFF00  }
0x21: {  	[tilespmem:s7], [sflag:$0x1] =	stream.indirect.gather [hbm4b:s1+s6], $0x80, s3, s6, $0xb8;
	[tilespmem:$0x8100] =	vst v63  }
0x22: {  	_ = 	snop  }
0x23: {  	[tilespmem:s8], [sflag:$0x1] =	stream.indirect.gather [hbm4b:s1+s6], $0x80, s6, s6, $0xb8;
	[tilespmem:$0x8100] =	vst v63  }
0x24: {  	_ =	swait.ge [sflag:s9], $0x4000  }
0x25: {  	[sflag:s9] =	ssyncset.done $0x0  }
0x26: {  	[sflag:s9] =	ssyncadd.s32 $0xFFFFC000  }
0x27: {  	[hbm4b:s10+s3] =	stream.linear.scatter [tilespmem:s7], [sflag:$0x2], $0x4000, $0x38;
	[tilespmem:$0x8100] =	vst v63  }
0x28: {  	_ =	swait.ge [sflag:s9], $0x4000  }
0x29: {  	[sflag:s9] =	ssyncset.done $0x0  }
0x2a: {  	[sflag:s9] =	ssyncadd.s32 $0xFFFFC000  }
0x2b: {  	[hbm4b:s12+s3] =	stream.linear.scatter [tilespmem:s8], [sflag:$0x2], $0x4000, $0x38;
	[tilespmem:$0x8100] =	vst v63  }
.Ltmp1:
0x2c: {  	_ =	swait.ge [sflag:s11], $0x4000;
	(pc) =	sbr.rel @p0 .LBB2_1-.Ltmp1, $4  }
0x2d: {  	[sflag:s11] =	ssyncset.done $0x0  }
0x2e: {  	[sflag:s11] =	ssyncadd.s32 $0xFFFFC000  }
0x2f: {  	_ =	swait.ge [sflag:s11], $0x4000  }
0x30: {  	[sflag:s11] =	ssyncset.done $0x0  }
.LBB2_2:
0x31: {  	[sflag:s11] =	ssyncadd.s32 $0xFFFFC000  }
0x32: {  	_ =	sfence.sel $0x180000  }
0x33: {  	[bflag:$0x0] =	sbarrier.arrive $0xFFFF  }
0x34: {  	p0 =	sne.s32 s0, $0x0;
	_ =	strace $0x90000047  }
0x35: {  	s0 =	sadd.s32 @!p0 $0x100000, s2;
	[bflag:$0x2] =	sbarrier.arrive $0xFFFF  }
0x36: {  	[sflag:s0] =	ssyncadd.tile.s32 @!p0 $0x1;
	_ =	shalt  }
.Lfunc_end2:
_tile_overlayer_lowered:
.L_overlay_start_2:
0x37: {  	(tag) =	ssettag $0x2  }
0x38: {  	s0 =	rddreg [dreg:$0x0];
	s2 =	stileid.u32  }
0x39: {  	s1 =	rddreg [dreg:$0x1];
	p0 =	sne.s32 s2, $0x0  }
0x3a: {  	s3 =	rddreg [dreg:$0x2];
	[bflag:$0x3] =	sbarrier.arrive $0xFFFF;
	s2 =	simm.s32 @!p0 $0x1C03  }
0x3b: {  	[timem:s3], [sflag:s2] =	dma.local @!p0 [hbm:s0], s1  }
0x3c: {  	s0 =	simm.s32 @!p0 $0x3  }
0x3d: {  	_ =	swait.ge @!p0 [sflag:s0], s1  }
0x3e: {  	s1 =	ssub.s32 @!p0 $0x0, s1;
	[sflag:s0] =	ssyncset.done @!p0 $0x0  }
0x3f: {  	[sflag:s0] =	ssyncadd.s32 @!p0 s1  }
0x40: {  	[bflag:$0x3] =	sbarrier.arrive $0xFFFF  }
0x41: {  	_ =	shalt  }

</sc_bundles>
